<compile_context>
chip_gen: v7x
topology: tpu7x:2x2x1
jax: 0.10.2.dev20260603
libtpu: 0.0.44.dev20260713+nightly
codegen_flags: <defaults>
</compile_context>

<pallas_src>
import functools

import jax
import jax.numpy as jnp
from jax import lax
from jax.experimental import pallas as pl
from jax.experimental.pallas import tpu as pltpu
from jax.experimental.pallas import tpu_sc as plsc

B, D_IN, H, D_E, K = 16384, 256, 256, 64, 4096
TB = 512
NT = B // TB
KC = 1024
NC, NS = 2, 16
NW = NC * NS
RPW = B // NW
CH = 128
NCH = RPW // CH
DP = 128


def _mmul(a, b):
    return jnp.dot(a, b, preferred_element_type=jnp.float32)


def _sum64_lanes(s):
    t = s[:, 0:8]
    for j in range(1, 8):
        t = t + s[:, 8 * j:8 * j + 8]
    t = t[:, 0:4] + t[:, 4:8]
    t = t[:, 0:2] + t[:, 2:4]
    return t[:, 0:1] + t[:, 1:2]


def _sum64_rows(s):
    t = s[0:8, :]
    for j in range(1, 8):
        t = t + s[8 * j:8 * j + 8, :]
    t = t[0:4, :] + t[4:8, :]
    t = t[0:2, :] + t[2:4, :]
    return t[0:1, :] + t[1:2, :]


def _enc1_body(x_ref, w1_ref, b1_ref, g1_ref, be1_ref, h_ref, ss_ref):
    i = pl.program_id(0)
    n = pl.num_programs(0)

    @pl.when(i == 0)
    def _():
        ss_ref[...] = jnp.zeros_like(ss_ref)

    h = _mmul(x_ref[...], w1_ref[...]) + b1_ref[...]
    h_ref[...] = h
    s0 = jnp.sum(h, axis=0, keepdims=True)
    s1 = jnp.sum(h * h, axis=0, keepdims=True)
    ss_ref[...] += jnp.concatenate([s0, s1], axis=0)

    @pl.when(i == n - 1)
    def _():
        s = ss_ref[...]
        mu = s[0:1, :] * (1.0 / B)
        var = s[1:2, :] * (1.0 / B) - mu * mu
        scale = g1_ref[...] * lax.rsqrt(var + 1e-5)
        shift = be1_ref[...] - mu * scale
        ss_ref[...] = jnp.concatenate([scale, shift], axis=0)


def _enc1(x, W1, b1, g1, be1):
    return pl.pallas_call(
        _enc1_body,
        grid=(NT,),
        in_specs=[
            pl.BlockSpec((TB, D_IN), lambda i: (i, 0)),
            pl.BlockSpec((D_IN, H), lambda i: (0, 0)),
            pl.BlockSpec((1, H), lambda i: (0, 0)),
            pl.BlockSpec((1, H), lambda i: (0, 0)),
            pl.BlockSpec((1, H), lambda i: (0, 0)),
        ],
        out_specs=[
            pl.BlockSpec((TB, H), lambda i: (i, 0)),
            pl.BlockSpec((2, H), lambda i: (0, 0)),
        ],
        out_shape=[
            jax.ShapeDtypeStruct((B, H), jnp.float32),
            jax.ShapeDtypeStruct((2, H), jnp.float32),
        ],
    )(x, W1, b1.reshape(1, H), g1.reshape(1, H), be1.reshape(1, H))


def _enc2_body(h_ref, ss_ref, w2_ref, b2_ref, w3_ref, b3_ref, cbt_ref,
               z_ref, idx_ref):
    scale = ss_ref[0:1, :]
    shift = ss_ref[1:2, :]
    hn = jax.nn.relu(h_ref[...] * scale + shift)
    a = jax.nn.relu(_mmul(hn, w2_ref[...]) + b2_ref[...])
    z = jnp.tanh(_mmul(a, w3_ref[...]) + b3_ref[...])
    z_ref[...] = z

    zn = _sum64_lanes(z * z)
    best = jnp.full((TB, 1), jnp.inf, jnp.float32)
    bidx = jnp.zeros((TB, 1), jnp.int32)
    for c in range(K // KC):
        ct = cbt_ref[:, c * KC:(c + 1) * KC]
        cn = _sum64_rows(ct * ct)
        mm = _mmul(z, ct)
        d = (zn + cn) - 2.0 * mm
        m = jnp.min(d, axis=1, keepdims=True)
        col = lax.broadcasted_iota(jnp.int32, d.shape, 1) + c * KC
        ci = jnp.min(jnp.where(d <= m, col, K), axis=1, keepdims=True)
        upd = m < best
        best = jnp.where(upd, m, best)
        bidx = jnp.where(upd, ci, bidx)
    idx_ref[0, 0, :] = jnp.reshape(bidx, (TB,))


def _enc2(h, ss, W2, b2, W3, b3, codebook):
    return pl.pallas_call(
        _enc2_body,
        grid=(NT,),
        in_specs=[
            pl.BlockSpec((TB, H), lambda i: (i, 0)),
            pl.BlockSpec((2, H), lambda i: (0, 0)),
            pl.BlockSpec((H, H // 2), lambda i: (0, 0)),
            pl.BlockSpec((1, H // 2), lambda i: (0, 0)),
            pl.BlockSpec((H // 2, D_E), lambda i: (0, 0)),
            pl.BlockSpec((1, D_E), lambda i: (0, 0)),
            pl.BlockSpec((D_E, K), lambda i: (0, 0)),
        ],
        out_specs=[
            pl.BlockSpec((TB, D_E), lambda i: (i, 0)),
            pl.BlockSpec((1, 1, TB), lambda i: (i, 0, 0)),
        ],
        out_shape=[
            jax.ShapeDtypeStruct((B, D_E), jnp.float32),
            jax.ShapeDtypeStruct((NT, 1, TB), jnp.int32),
        ],
    )(h, ss, W2, b2.reshape(1, H // 2), W3, b3.reshape(1, D_E), codebook.T)


def _sc_gather_hist(codebook_padded, idx):
    mesh = plsc.VectorSubcoreMesh(core_axis_name="c", subcore_axis_name="s")

    @functools.partial(
        pl.kernel, mesh=mesh,
        out_type=(
            jax.ShapeDtypeStruct((B, DP), jnp.float32),
            jax.ShapeDtypeStruct((NC, K, DP), jnp.float32),
        ),
        scratch_types=(
            [pltpu.VMEM((CH,), jnp.int32) for _ in range(NCH)]
            + [
                pltpu.VMEM((RPW, DP), jnp.float32),
                pltpu.VMEM((CH, DP), jnp.float32),
                pltpu.VMEM_SHARED((K, DP), jnp.float32),
                pltpu.SemaphoreType.DMA,
            ]
        ),
    )
    def sc_k(cb_hbm, idx_hbm, q_out, cnt_out,
             i0, i1, i2, i3, rows_v, buf_v, cnt_sh, sem):
        cid = lax.axis_index("c")
        sid = lax.axis_index("s")
        wid = sid * NC + cid
        base = wid * RPW
        idx_refs = (i0, i1, i2, i3)
        for j, ir in enumerate(idx_refs):
            pltpu.sync_copy(idx_hbm.at[pl.ds(base + j * CH, CH)], ir)

        for j, ir in enumerate(idx_refs):
            pltpu.async_copy(cb_hbm.at[ir],
                             rows_v.at[pl.ds(j * CH, CH)], sem).wait()
        pltpu.sync_copy(rows_v, q_out.at[pl.ds(base, RPW)])

        def _fill(t, val):
            for j in range(DP // 16):
                buf_v[t, pl.ds(j * 16, 16)] = jnp.full((16,), val, jnp.float32)
            return val

        lax.fori_loop(0, CH, _fill, 0.0)

        @pl.when(sid == 0)
        def _():
            for t in range(K // CH):
                pltpu.sync_copy(buf_v, cnt_sh.at[pl.ds(t * CH, CH)])

        lax.fori_loop(0, CH, _fill, 1.0)

        plsc.subcore_barrier()
        for ir in idx_refs:
            pltpu.sync_copy(buf_v, cnt_sh.at[ir], add=True)
        plsc.subcore_barrier()

        @pl.when(sid == 0)
        def _():
            pltpu.sync_copy(cnt_sh, cnt_out.at[cid])

    return sc_k(codebook_padded, idx)


def _dec_body(q_ref, z_ref, cnt_ref, w4_ref, b4_ref, w5_ref, b5_ref,
              w6_ref, b6_ref, xr_ref, vq_ref, perp_ref):
    i = pl.program_id(0)
    n = pl.num_programs(0)

    @pl.when(i == 0)
    def _():
        vq_ref[...] = jnp.zeros_like(vq_ref)
        perp_ref[...] = jnp.zeros_like(perp_ref)

    q = q_ref[...][:, :D_E]
    z = z_ref[...]
    qst = z + (q - z)
    h2 = jax.nn.relu(_mmul(qst, w4_ref[...]) + b4_ref[...])
    h3 = jax.nn.relu(_mmul(h2, w5_ref[...]) + b5_ref[...])
    xr_ref[...] = _mmul(h3, w6_ref[...]) + b6_ref[...]

    diff = q - z
    vq_ref[...] += jnp.reshape(jnp.sum(diff * diff), (1, 1))

    @pl.when(i == n - 1)
    def _():
        vq_ref[...] = vq_ref[...] * (1.25 / (B * D_E))
        c = cnt_ref[0, :, :] + cnt_ref[1, :, :]
        p = c * (1.0 / B)
        t = jnp.sum(p * jnp.log(p + 1e-10)) * (1.0 / DP)
        perp_ref[...] = jnp.reshape(jnp.exp(-t), (1, 1))


def _dec(q, z, cnt, W4, b4, W5, b5, W6, b6):
    return pl.pallas_call(
        _dec_body,
        grid=(NT,),
        in_specs=[
            pl.BlockSpec((TB, DP), lambda i: (i, 0)),
            pl.BlockSpec((TB, D_E), lambda i: (i, 0)),
            pl.BlockSpec((NC, K, DP), lambda i: (0, 0, 0)),
            pl.BlockSpec((D_E, H // 2), lambda i: (0, 0)),
            pl.BlockSpec((1, H // 2), lambda i: (0, 0)),
            pl.BlockSpec((H // 2, H), lambda i: (0, 0)),
            pl.BlockSpec((1, H), lambda i: (0, 0)),
            pl.BlockSpec((H, D_IN), lambda i: (0, 0)),
            pl.BlockSpec((1, D_IN), lambda i: (0, 0)),
        ],
        out_specs=[
            pl.BlockSpec((TB, D_IN), lambda i: (i, 0)),
            pl.BlockSpec((1, 1), lambda i: (0, 0)),
            pl.BlockSpec((1, 1), lambda i: (0, 0)),
        ],
        out_shape=[
            jax.ShapeDtypeStruct((B, D_IN), jnp.float32),
            jax.ShapeDtypeStruct((1, 1), jnp.float32),
            jax.ShapeDtypeStruct((1, 1), jnp.float32),
        ],
    )(q, z, cnt, W4, b4.reshape(1, H // 2), W5, b5.reshape(1, H),
      W6, b6.reshape(1, D_IN))


def kernel(x, W1, b1, g1, be1, W2, b2, W3, b3, codebook, W4, b4, W5, b5,
           W6, b6):
    h, ss = _enc1(x, W1, b1, g1, be1)
    z, idx3 = _enc2(h, ss, W2, b2, W3, b3, codebook)
    idx = idx3.reshape(B)
    cbp = jnp.concatenate(
        [codebook, jnp.zeros((K, DP - D_E), jnp.float32)], axis=1)
    q, cnt = _sc_gather_hist(cbp, idx)
    xr, vq, perp = _dec(q, z, cnt, W4, b4, W5, b5, W6, b6)
    return (vq.reshape(()), xr, perp.reshape(()))

# --- scband reference (transcript-rebuilt; emitter-appended) ---
"""Pipeline reference for scband-deeper-eeg-vq-vae-84748294685323 (READ-ONLY COPY).

The authoritative reference and input builder live on the scoring server;
editing this copy changes nothing except your own understanding.
"""

import jax, jax.numpy as jnp
import numpy as np

B, D_IN, H, D_E, K = 16384, 256, 256, 64, 4096

def setup_inputs(seed: int = 0):
    key = jax.random.key(seed)
    ks = jax.random.split(key, 16)
    def init(k, shape, fan_in):
        bound = 1.0 / np.sqrt(fan_in)
        return jax.random.uniform(k, shape, jnp.float32, -bound, bound)
    return {
        'x': jax.random.normal(ks[0], (B, D_IN), jnp.float32),
        'W1': init(ks[1], (D_IN, H), D_IN), 'b1': init(ks[2], (H,), D_IN),
        'g1': jnp.ones((H,), jnp.float32), 'be1': jnp.zeros((H,), jnp.float32),
        'W2': init(ks[3], (H, H // 2), H), 'b2': init(ks[4], (H // 2,), H),
        'W3': init(ks[5], (H // 2, D_E), H // 2), 'b3': init(ks[6], (D_E,), H // 2),
        'codebook': jax.random.uniform(ks[7], (K, D_E), jnp.float32, -1.0 / K, 1.0 / K),
        'W4': init(ks[8], (D_E, H // 2), D_E), 'b4': init(ks[9], (H // 2,), D_E),
        'W5': init(ks[10], (H // 2, H), H // 2), 'b5': init(ks[11], (H,), H // 2),
        'W6': init(ks[12], (H, D_IN), H), 'b6': init(ks[13], (D_IN,), H),
    }

def reference(x, W1, b1, g1, be1, W2, b2, W3, b3, codebook, W4, b4, W5, b5, W6, b6):
    # encoder: Linear -> BatchNorm1d (training-mode batch stats) -> ReLU -> Linear -> ReLU -> Linear -> Tanh
    h = x @ W1 + b1
    mu = jnp.mean(h, axis=0)
    var = jnp.var(h, axis=0)
    h = (h - mu) / jnp.sqrt(var + 1e-5) * g1 + be1
    h = jax.nn.relu(h)
    h = jax.nn.relu(h @ W2 + b2)
    z = jnp.tanh(h @ W3 + b3)  # [B, D_E]; torch unsqueeze(2)/squeeze(2) is a no-op for the math
    # vector quantizer
    d = (jnp.sum(z * z, axis=1, keepdims=True)
         + jnp.sum(codebook * codebook, axis=1)[None, :]
         - 2.0 * (z @ codebook.T))
    idx = jnp.argmin(d, axis=1)
    q = jnp.take(codebook, idx, axis=0)
    e_latent = jnp.mean((jax.lax.stop_gradient(q) - z) ** 2)
    q_latent = jnp.mean((q - jax.lax.stop_gradient(z)) ** 2)
    vq_loss = q_latent + 0.25 * e_latent
    q_st = z + jax.lax.stop_gradient(q - z)  # straight-through
    enc = jax.nn.one_hot(idx, codebook.shape[0], dtype=jnp.float32)
    avg_probs = jnp.mean(enc, axis=0)
    perplexity = jnp.exp(-jnp.sum(avg_probs * jnp.log(avg_probs + 1e-10)))
    # decoder
    h2 = jax.nn.relu(q_st @ W4 + b4)
    h2 = jax.nn.relu(h2 @ W5 + b5)
    x_recon = h2 @ W6 + b6
    return (vq_loss, x_recon, perplexity)

if __name__ == "__main__":
    import jax
    _d = setup_inputs()
    print(jax.jit(kernel)(*tuple(_d.values())))

</pallas_src>

<mosaic_0001>
#map = affine_map<(d0, d1) -> (0, 0)>
#map1 = affine_map<(d0, d1) -> (0)>
#map2 = affine_map<(d0, d1) -> (0, 0, 0)>
module attributes {stable_mosaic.version = 14 : i64} {
  func.func @sc_k(%arg0: i32, %arg1: i32, %arg2: memref<4096x128xf32, #tpu.memory_space<hbm>>, %arg3: memref<16384xi32, #tpu.memory_space<hbm>>, %arg4: memref<16384x128xf32, #tpu.memory_space<hbm>>, %arg5: memref<2x4096x128xf32, #tpu.memory_space<hbm>>, %arg6: memref<128xi32, #tpu.memory_space<vmem>>, %arg7: memref<128xi32, #tpu.memory_space<vmem>>, %arg8: memref<128xi32, #tpu.memory_space<vmem>>, %arg9: memref<128xi32, #tpu.memory_space<vmem>>, %arg10: memref<512x128xf32, #tpu.memory_space<vmem>>, %arg11: memref<128x128xf32, #tpu.memory_space<vmem>>, %arg12: memref<4096x128xf32, #tpu.memory_space<vmem_shared>>, %arg13: memref<!tpu.dma_semaphore, #tpu.memory_space<semaphore_mem>>) attributes {dimension_semantics = [#tpu.dimension_semantics<core_parallel>, #tpu.dimension_semantics<subcore_parallel>], iteration_bounds = array<i64: 2, 16>, scalar_prefetch = 0 : i64, scratch_operands = 8 : i64, tpu.core_type = #tpu.core_type<sc_vector_subcore>, window_params = [{transform_indices = #map}, {transform_indices = #map1}, {transform_indices = #map}, {transform_indices = #map2}]} {
    %mul3A = arith.constant 2 : i32
    %mul3A_0 = arith.muli %arg1, %mul3A : i32
    %add3A = arith.addi %mul3A_0, %arg0 : i32
    %mul3A_1 = arith.constant 512 : i32
    %mul3A_2 = arith.muli %add3A, %mul3A_1 : i32
    %add3A_3 = arith.constant 0 : i32
    %add3A_4 = arith.addi %mul3A_2, %add3A_3 : i32
    "tpu.region"() ({
      %run_scoped3A = tpu.sem_alloc : memref<!tpu.dma_semaphore, #tpu.memory_space<semaphore_mem>>
      %dma_start3A_76 = tpu.memref_slice %arg3[%add3A_4] : memref<16384xi32, #tpu.memory_space<hbm>> -> memref<128xi32, #tpu.memory_space<hbm>>
      %dma_start3A_77 = tpu.memref_slice %arg3[%add3A_4] : memref<16384xi32, #tpu.memory_space<hbm>> -> memref<128xi32, #tpu.memory_space<hbm>>
      tpu.enqueue_dma source(%dma_start3A_77 : memref<128xi32, #tpu.memory_space<hbm>>) target(%arg6 : memref<128xi32, #tpu.memory_space<vmem>>) target_semaphore(%run_scoped3A : memref<!tpu.dma_semaphore, #tpu.memory_space<semaphore_mem>>)
      %dma_wait3A_78 = tpu.memref_slice %arg3[%add3A_4] : memref<16384xi32, #tpu.memory_space<hbm>> -> memref<128xi32, #tpu.memory_space<hbm>>
      %dma_wait3A_79 = tpu.memref_slice %arg3[%add3A_4] : memref<16384xi32, #tpu.memory_space<hbm>> -> memref<128xi32, #tpu.memory_space<hbm>>
      tpu.wait_dma2 semaphore(%run_scoped3A : memref<!tpu.dma_semaphore, #tpu.memory_space<semaphore_mem>>) src(%dma_wait3A_79 : memref<128xi32, #tpu.memory_space<hbm>>) dst(%arg6 : memref<128xi32, #tpu.memory_space<vmem>>)
      tpu.yield
    }) : () -> ()
    %add3A_5 = arith.constant 128 : i32
    %add3A_6 = arith.addi %mul3A_2, %add3A_5 : i32
    "tpu.region"() ({
      %run_scoped3A = tpu.sem_alloc : memref<!tpu.dma_semaphore, #tpu.memory_space<semaphore_mem>>
      %dma_start3A_76 = tpu.memref_slice %arg3[%add3A_6] : memref<16384xi32, #tpu.memory_space<hbm>> -> memref<128xi32, #tpu.memory_space<hbm>>
      %dma_start3A_77 = tpu.memref_slice %arg3[%add3A_6] : memref<16384xi32, #tpu.memory_space<hbm>> -> memref<128xi32, #tpu.memory_space<hbm>>
      tpu.enqueue_dma source(%dma_start3A_77 : memref<128xi32, #tpu.memory_space<hbm>>) target(%arg7 : memref<128xi32, #tpu.memory_space<vmem>>) target_semaphore(%run_scoped3A : memref<!tpu.dma_semaphore, #tpu.memory_space<semaphore_mem>>)
      %dma_wait3A_78 = tpu.memref_slice %arg3[%add3A_6] : memref<16384xi32, #tpu.memory_space<hbm>> -> memref<128xi32, #tpu.memory_space<hbm>>
      %dma_wait3A_79 = tpu.memref_slice %arg3[%add3A_6] : memref<16384xi32, #tpu.memory_space<hbm>> -> memref<128xi32, #tpu.memory_space<hbm>>
      tpu.wait_dma2 semaphore(%run_scoped3A : memref<!tpu.dma_semaphore, #tpu.memory_space<semaphore_mem>>) src(%dma_wait3A_79 : memref<128xi32, #tpu.memory_space<hbm>>) dst(%arg7 : memref<128xi32, #tpu.memory_space<vmem>>)
      tpu.yield
    }) : () -> ()
    %add3A_7 = arith.constant 256 : i32
    %add3A_8 = arith.addi %mul3A_2, %add3A_7 : i32
    "tpu.region"() ({
      %run_scoped3A = tpu.sem_alloc : memref<!tpu.dma_semaphore, #tpu.memory_space<semaphore_mem>>
      %dma_start3A_76 = tpu.memref_slice %arg3[%add3A_8] : memref<16384xi32, #tpu.memory_space<hbm>> -> memref<128xi32, #tpu.memory_space<hbm>>
      %dma_start3A_77 = tpu.memref_slice %arg3[%add3A_8] : memref<16384xi32, #tpu.memory_space<hbm>> -> memref<128xi32, #tpu.memory_space<hbm>>
      tpu.enqueue_dma source(%dma_start3A_77 : memref<128xi32, #tpu.memory_space<hbm>>) target(%arg8 : memref<128xi32, #tpu.memory_space<vmem>>) target_semaphore(%run_scoped3A : memref<!tpu.dma_semaphore, #tpu.memory_space<semaphore_mem>>)
      %dma_wait3A_78 = tpu.memref_slice %arg3[%add3A_8] : memref<16384xi32, #tpu.memory_space<hbm>> -> memref<128xi32, #tpu.memory_space<hbm>>
      %dma_wait3A_79 = tpu.memref_slice %arg3[%add3A_8] : memref<16384xi32, #tpu.memory_space<hbm>> -> memref<128xi32, #tpu.memory_space<hbm>>
      tpu.wait_dma2 semaphore(%run_scoped3A : memref<!tpu.dma_semaphore, #tpu.memory_space<semaphore_mem>>) src(%dma_wait3A_79 : memref<128xi32, #tpu.memory_space<hbm>>) dst(%arg8 : memref<128xi32, #tpu.memory_space<vmem>>)
      tpu.yield
    }) : () -> ()
    %add3A_9 = arith.constant 384 : i32
    %add3A_10 = arith.addi %mul3A_2, %add3A_9 : i32
    "tpu.region"() ({
      %run_scoped3A = tpu.sem_alloc : memref<!tpu.dma_semaphore, #tpu.memory_space<semaphore_mem>>
      %dma_start3A_76 = tpu.memref_slice %arg3[%add3A_10] : memref<16384xi32, #tpu.memory_space<hbm>> -> memref<128xi32, #tpu.memory_space<hbm>>
      %dma_start3A_77 = tpu.memref_slice %arg3[%add3A_10] : memref<16384xi32, #tpu.memory_space<hbm>> -> memref<128xi32, #tpu.memory_space<hbm>>
      tpu.enqueue_dma source(%dma_start3A_77 : memref<128xi32, #tpu.memory_space<hbm>>) target(%arg9 : memref<128xi32, #tpu.memory_space<vmem>>) target_semaphore(%run_scoped3A : memref<!tpu.dma_semaphore, #tpu.memory_space<semaphore_mem>>)
      %dma_wait3A_78 = tpu.memref_slice %arg3[%add3A_10] : memref<16384xi32, #tpu.memory_space<hbm>> -> memref<128xi32, #tpu.memory_space<hbm>>
      %dma_wait3A_79 = tpu.memref_slice %arg3[%add3A_10] : memref<16384xi32, #tpu.memory_space<hbm>> -> memref<128xi32, #tpu.memory_space<hbm>>
      tpu.wait_dma2 semaphore(%run_scoped3A : memref<!tpu.dma_semaphore, #tpu.memory_space<semaphore_mem>>) src(%dma_wait3A_79 : memref<128xi32, #tpu.memory_space<hbm>>) dst(%arg9 : memref<128xi32, #tpu.memory_space<vmem>>)
      tpu.yield
    }) : () -> ()
    %dma_start3A = arith.constant 0 : i32
    %dma_start3A_11 = arith.constant 0 : i32
    %dma_start3A_12 = tpu.memref_slice %arg10[%dma_start3A, %dma_start3A_11] : memref<512x128xf32, #tpu.memory_space<vmem>> -> memref<128x128xf32, #tpu.memory_space<vmem>>
    %dma_start3A_13 = arith.constant 0 : i32
    %dma_start3A_14 = arith.constant 0 : i32
    %dma_start3A_15 = tpu.memref_slice %arg2[%dma_start3A_13, %dma_start3A_14] : memref<4096x128xf32, #tpu.memory_space<hbm>> -> memref<4096x128xf32, #tpu.memory_space<hbm>>
    tpu.enqueue_indirect_dma source(%dma_start3A_15 : memref<4096x128xf32, #tpu.memory_space<hbm>>) target(%dma_start3A_12 : memref<128x128xf32, #tpu.memory_space<vmem>>) offsets(%arg6 : memref<128xi32, #tpu.memory_space<vmem>>) semaphore(%arg13 : memref<!tpu.dma_semaphore, #tpu.memory_space<semaphore_mem>>)
    %dma_wait3A = arith.constant 0 : i32
    %dma_wait3A_16 = arith.constant 0 : i32
    %dma_wait3A_17 = tpu.memref_slice %arg10[%dma_wait3A, %dma_wait3A_16] : memref<512x128xf32, #tpu.memory_space<vmem>> -> memref<128x128xf32, #tpu.memory_space<vmem>>
    %dma_wait3A_18 = arith.constant 0 : i32
    %dma_wait3A_19 = arith.constant 0 : i32
    %dma_wait3A_20 = tpu.memref_slice %arg2[%dma_wait3A_18, %dma_wait3A_19] : memref<4096x128xf32, #tpu.memory_space<hbm>> -> memref<4096x128xf32, #tpu.memory_space<hbm>>
    tpu.wait_indirect_dma semaphore(%arg13 : memref<!tpu.dma_semaphore, #tpu.memory_space<semaphore_mem>>) src(%dma_wait3A_20 : memref<4096x128xf32, #tpu.memory_space<hbm>>) dst(%dma_wait3A_17 : memref<128x128xf32, #tpu.memory_space<vmem>>)
    %dma_start3A_21 = arith.constant 128 : i32
    %dma_start3A_22 = arith.constant 0 : i32
    %dma_start3A_23 = tpu.memref_slice %arg10[%dma_start3A_21, %dma_start3A_22] : memref<512x128xf32, #tpu.memory_space<vmem>> -> memref<128x128xf32, #tpu.memory_space<vmem>>
    %dma_start3A_24 = arith.constant 0 : i32
    %dma_start3A_25 = arith.constant 0 : i32
    %dma_start3A_26 = tpu.memref_slice %arg2[%dma_start3A_24, %dma_start3A_25] : memref<4096x128xf32, #tpu.memory_space<hbm>> -> memref<4096x128xf32, #tpu.memory_space<hbm>>
    tpu.enqueue_indirect_dma source(%dma_start3A_26 : memref<4096x128xf32, #tpu.memory_space<hbm>>) target(%dma_start3A_23 : memref<128x128xf32, #tpu.memory_space<vmem>>) offsets(%arg7 : memref<128xi32, #tpu.memory_space<vmem>>) semaphore(%arg13 : memref<!tpu.dma_semaphore, #tpu.memory_space<semaphore_mem>>)
    %dma_wait3A_27 = arith.constant 128 : i32
    %dma_wait3A_28 = arith.constant 0 : i32
    %dma_wait3A_29 = tpu.memref_slice %arg10[%dma_wait3A_27, %dma_wait3A_28] : memref<512x128xf32, #tpu.memory_space<vmem>> -> memref<128x128xf32, #tpu.memory_space<vmem>>
    %dma_wait3A_30 = arith.constant 0 : i32
    %dma_wait3A_31 = arith.constant 0 : i32
    %dma_wait3A_32 = tpu.memref_slice %arg2[%dma_wait3A_30, %dma_wait3A_31] : memref<4096x128xf32, #tpu.memory_space<hbm>> -> memref<4096x128xf32, #tpu.memory_space<hbm>>
    tpu.wait_indirect_dma semaphore(%arg13 : memref<!tpu.dma_semaphore, #tpu.memory_space<semaphore_mem>>) src(%dma_wait3A_32 : memref<4096x128xf32, #tpu.memory_space<hbm>>) dst(%dma_wait3A_29 : memref<128x128xf32, #tpu.memory_space<vmem>>)
    %dma_start3A_33 = arith.constant 256 : i32
    %dma_start3A_34 = arith.constant 0 : i32
    %dma_start3A_35 = tpu.memref_slice %arg10[%dma_start3A_33, %dma_start3A_34] : memref<512x128xf32, #tpu.memory_space<vmem>> -> memref<128x128xf32, #tpu.memory_space<vmem>>
    %dma_start3A_36 = arith.constant 0 : i32
    %dma_start3A_37 = arith.constant 0 : i32
    %dma_start3A_38 = tpu.memref_slice %arg2[%dma_start3A_36, %dma_start3A_37] : memref<4096x128xf32, #tpu.memory_space<hbm>> -> memref<4096x128xf32, #tpu.memory_space<hbm>>
    tpu.enqueue_indirect_dma source(%dma_start3A_38 : memref<4096x128xf32, #tpu.memory_space<hbm>>) target(%dma_start3A_35 : memref<128x128xf32, #tpu.memory_space<vmem>>) offsets(%arg8 : memref<128xi32, #tpu.memory_space<vmem>>) semaphore(%arg13 : memref<!tpu.dma_semaphore, #tpu.memory_space<semaphore_mem>>)
    %dma_wait3A_39 = arith.constant 256 : i32
    %dma_wait3A_40 = arith.constant 0 : i32
    %dma_wait3A_41 = tpu.memref_slice %arg10[%dma_wait3A_39, %dma_wait3A_40] : memref<512x128xf32, #tpu.memory_space<vmem>> -> memref<128x128xf32, #tpu.memory_space<vmem>>
    %dma_wait3A_42 = arith.constant 0 : i32
    %dma_wait3A_43 = arith.constant 0 : i32
    %dma_wait3A_44 = tpu.memref_slice %arg2[%dma_wait3A_42, %dma_wait3A_43] : memref<4096x128xf32, #tpu.memory_space<hbm>> -> memref<4096x128xf32, #tpu.memory_space<hbm>>
    tpu.wait_indirect_dma semaphore(%arg13 : memref<!tpu.dma_semaphore, #tpu.memory_space<semaphore_mem>>) src(%dma_wait3A_44 : memref<4096x128xf32, #tpu.memory_space<hbm>>) dst(%dma_wait3A_41 : memref<128x128xf32, #tpu.memory_space<vmem>>)
    %dma_start3A_45 = arith.constant 384 : i32
    %dma_start3A_46 = arith.constant 0 : i32
    %dma_start3A_47 = tpu.memref_slice %arg10[%dma_start3A_45, %dma_start3A_46] : memref<512x128xf32, #tpu.memory_space<vmem>> -> memref<128x128xf32, #tpu.memory_space<vmem>>
    %dma_start3A_48 = arith.constant 0 : i32
    %dma_start3A_49 = arith.constant 0 : i32
    %dma_start3A_50 = tpu.memref_slice %arg2[%dma_start3A_48, %dma_start3A_49] : memref<4096x128xf32, #tpu.memory_space<hbm>> -> memref<4096x128xf32, #tpu.memory_space<hbm>>
    tpu.enqueue_indirect_dma source(%dma_start3A_50 : memref<4096x128xf32, #tpu.memory_space<hbm>>) target(%dma_start3A_47 : memref<128x128xf32, #tpu.memory_space<vmem>>) offsets(%arg9 : memref<128xi32, #tpu.memory_space<vmem>>) semaphore(%arg13 : memref<!tpu.dma_semaphore, #tpu.memory_space<semaphore_mem>>)
    %dma_wait3A_51 = arith.constant 384 : i32
    %dma_wait3A_52 = arith.constant 0 : i32
    %dma_wait3A_53 = tpu.memref_slice %arg10[%dma_wait3A_51, %dma_wait3A_52] : memref<512x128xf32, #tpu.memory_space<vmem>> -> memref<128x128xf32, #tpu.memory_space<vmem>>
    %dma_wait3A_54 = arith.constant 0 : i32
    %dma_wait3A_55 = arith.constant 0 : i32
    %dma_wait3A_56 = tpu.memref_slice %arg2[%dma_wait3A_54, %dma_wait3A_55] : memref<4096x128xf32, #tpu.memory_space<hbm>> -> memref<4096x128xf32, #tpu.memory_space<hbm>>
    tpu.wait_indirect_dma semaphore(%arg13 : memref<!tpu.dma_semaphore, #tpu.memory_space<semaphore_mem>>) src(%dma_wait3A_56 : memref<4096x128xf32, #tpu.memory_space<hbm>>) dst(%dma_wait3A_53 : memref<128x128xf32, #tpu.memory_space<vmem>>)
    "tpu.region"() ({
      %run_scoped3A = tpu.sem_alloc : memref<!tpu.dma_semaphore, #tpu.memory_space<semaphore_mem>>
      %dma_start3A_76 = arith.constant 0 : i32
      %dma_start3A_77 = tpu.memref_slice %arg4[%mul3A_2, %dma_start3A_76] : memref<16384x128xf32, #tpu.memory_space<hbm>> -> memref<512x128xf32, #tpu.memory_space<hbm>>
      %dma_start3A_78 = arith.constant 0 : i32
      %dma_start3A_79 = tpu.memref_slice %arg4[%mul3A_2, %dma_start3A_78] : memref<16384x128xf32, #tpu.memory_space<hbm>> -> memref<512x128xf32, #tpu.memory_space<hbm>>
      tpu.enqueue_dma source(%arg10 : memref<512x128xf32, #tpu.memory_space<vmem>>) target(%dma_start3A_79 : memref<512x128xf32, #tpu.memory_space<hbm>>) target_semaphore(%run_scoped3A : memref<!tpu.dma_semaphore, #tpu.memory_space<semaphore_mem>>)
      %dma_wait3A_80 = arith.constant 0 : i32
      %dma_wait3A_81 = tpu.memref_slice %arg4[%mul3A_2, %dma_wait3A_80] : memref<16384x128xf32, #tpu.memory_space<hbm>> -> memref<512x128xf32, #tpu.memory_space<hbm>>
      %dma_wait3A_82 = arith.constant 0 : i32
      %dma_wait3A_83 = tpu.memref_slice %arg4[%mul3A_2, %dma_wait3A_82] : memref<16384x128xf32, #tpu.memory_space<hbm>> -> memref<512x128xf32, #tpu.memory_space<hbm>>
      tpu.wait_dma2 semaphore(%run_scoped3A : memref<!tpu.dma_semaphore, #tpu.memory_space<semaphore_mem>>) src(%arg10 : memref<512x128xf32, #tpu.memory_space<vmem>>) dst(%dma_wait3A_83 : memref<512x128xf32, #tpu.memory_space<hbm>>)
      tpu.yield
    }) : () -> ()
    %scan3A = arith.constant 0.000000e+00 : f32
    %scan3A_57 = arith.constant 0 : i32
    %scan3A_58 = arith.constant 128 : i32
    %scan3A_59 = arith.addi %scan3A_57, %scan3A_58 : i32
    %scan3A_60 = arith.constant 1 : i32
    scf.for %scan3A_76 = %scan3A_57 to %scan3A_59 step %scan3A_60  : i32 {
      %broadcast_in_dim3A = vector.broadcast %scan3A : f32 to vector<16xf32>
      %swap3A = arith.index_cast %scan3A_76 : i32 to index
      %swap3A_77 = arith.constant 0 : index
      %swap3A_78 = tpu.vector_load %arg11[%swap3A, %swap3A_77] {strides = array<i32>} : memref<128x128xf32, #tpu.memory_space<vmem>>, vector<1x16xf32>,
      %swap3A_79 = vector.shape_cast %swap3A_78 : vector<1x16xf32> to vector<16xf32>
      %swap3A_80 = vector.shape_cast %broadcast_in_dim3A : vector<16xf32> to vector<1x16xf32>
      tpu.vector_store %arg11[%swap3A, %swap3A_77], %swap3A_80 {strides = array<i32>} : memref<128x128xf32, #tpu.memory_space<vmem>>, vector<1x16xf32>,
      %broadcast_in_dim3A_81 = vector.broadcast %scan3A : f32 to vector<16xf32>
      %swap3A_82 = arith.index_cast %scan3A_76 : i32 to index
      %swap3A_83 = arith.constant 16 : index
      %swap3A_84 = tpu.vector_load %arg11[%swap3A_82, %swap3A_83] {strides = array<i32>} : memref<128x128xf32, #tpu.memory_space<vmem>>, vector<1x16xf32>,
      %swap3A_85 = vector.shape_cast %swap3A_84 : vector<1x16xf32> to vector<16xf32>
      %swap3A_86 = vector.shape_cast %broadcast_in_dim3A_81 : vector<16xf32> to vector<1x16xf32>
      tpu.vector_store %arg11[%swap3A_82, %swap3A_83], %swap3A_86 {strides = array<i32>} : memref<128x128xf32, #tpu.memory_space<vmem>>, vector<1x16xf32>,
      %broadcast_in_dim3A_87 = vector.broadcast %scan3A : f32 to vector<16xf32>
      %swap3A_88 = arith.index_cast %scan3A_76 : i32 to index
      %swap3A_89 = arith.constant 32 : index
      %swap3A_90 = tpu.vector_load %arg11[%swap3A_88, %swap3A_89] {strides = array<i32>} : memref<128x128xf32, #tpu.memory_space<vmem>>, vector<1x16xf32>,
      %swap3A_91 = vector.shape_cast %swap3A_90 : vector<1x16xf32> to vector<16xf32>
      %swap3A_92 = vector.shape_cast %broadcast_in_dim3A_87 : vector<16xf32> to vector<1x16xf32>
      tpu.vector_store %arg11[%swap3A_88, %swap3A_89], %swap3A_92 {strides = array<i32>} : memref<128x128xf32, #tpu.memory_space<vmem>>, vector<1x16xf32>,
      %broadcast_in_dim3A_93 = vector.broadcast %scan3A : f32 to vector<16xf32>
      %swap3A_94 = arith.index_cast %scan3A_76 : i32 to index
      %swap3A_95 = arith.constant 48 : index
      %swap3A_96 = tpu.vector_load %arg11[%swap3A_94, %swap3A_95] {strides = array<i32>} : memref<128x128xf32, #tpu.memory_space<vmem>>, vector<1x16xf32>,
      %swap3A_97 = vector.shape_cast %swap3A_96 : vector<1x16xf32> to vector<16xf32>
      %swap3A_98 = vector.shape_cast %broadcast_in_dim3A_93 : vector<16xf32> to vector<1x16xf32>
      tpu.vector_store %arg11[%swap3A_94, %swap3A_95], %swap3A_98 {strides = array<i32>} : memref<128x128xf32, #tpu.memory_space<vmem>>, vector<1x16xf32>,
      %broadcast_in_dim3A_99 = vector.broadcast %scan3A : f32 to vector<16xf32>
      %swap3A_100 = arith.index_cast %scan3A_76 : i32 to index
      %swap3A_101 = arith.constant 64 : index
      %swap3A_102 = tpu.vector_load %arg11[%swap3A_100, %swap3A_101] {strides = array<i32>} : memref<128x128xf32, #tpu.memory_space<vmem>>, vector<1x16xf32>,
      %swap3A_103 = vector.shape_cast %swap3A_102 : vector<1x16xf32> to vector<16xf32>
      %swap3A_104 = vector.shape_cast %broadcast_in_dim3A_99 : vector<16xf32> to vector<1x16xf32>
      tpu.vector_store %arg11[%swap3A_100, %swap3A_101], %swap3A_104 {strides = array<i32>} : memref<128x128xf32, #tpu.memory_space<vmem>>, vector<1x16xf32>,
      %broadcast_in_dim3A_105 = vector.broadcast %scan3A : f32 to vector<16xf32>
      %swap3A_106 = arith.index_cast %scan3A_76 : i32 to index
      %swap3A_107 = arith.constant 80 : index
      %swap3A_108 = tpu.vector_load %arg11[%swap3A_106, %swap3A_107] {strides = array<i32>} : memref<128x128xf32, #tpu.memory_space<vmem>>, vector<1x16xf32>,
      %swap3A_109 = vector.shape_cast %swap3A_108 : vector<1x16xf32> to vector<16xf32>
      %swap3A_110 = vector.shape_cast %broadcast_in_dim3A_105 : vector<16xf32> to vector<1x16xf32>
      tpu.vector_store %arg11[%swap3A_106, %swap3A_107], %swap3A_110 {strides = array<i32>} : memref<128x128xf32, #tpu.memory_space<vmem>>, vector<1x16xf32>,
      %broadcast_in_dim3A_111 = vector.broadcast %scan3A : f32 to vector<16xf32>
      %swap3A_112 = arith.index_cast %scan3A_76 : i32 to index
      %swap3A_113 = arith.constant 96 : index
      %swap3A_114 = tpu.vector_load %arg11[%swap3A_112, %swap3A_113] {strides = array<i32>} : memref<128x128xf32, #tpu.memory_space<vmem>>, vector<1x16xf32>,
      %swap3A_115 = vector.shape_cast %swap3A_114 : vector<1x16xf32> to vector<16xf32>
      %swap3A_116 = vector.shape_cast %broadcast_in_dim3A_111 : vector<16xf32> to vector<1x16xf32>
      tpu.vector_store %arg11[%swap3A_112, %swap3A_113], %swap3A_116 {strides = array<i32>} : memref<128x128xf32, #tpu.memory_space<vmem>>, vector<1x16xf32>,
      %broadcast_in_dim3A_117 = vector.broadcast %scan3A : f32 to vector<16xf32>
      %swap3A_118 = arith.index_cast %scan3A_76 : i32 to index
      %swap3A_119 = arith.constant 112 : index
      %swap3A_120 = tpu.vector_load %arg11[%swap3A_118, %swap3A_119] {strides = array<i32>} : memref<128x128xf32, #tpu.memory_space<vmem>>, vector<1x16xf32>,
      %swap3A_121 = vector.shape_cast %swap3A_120 : vector<1x16xf32> to vector<16xf32>
      %swap3A_122 = vector.shape_cast %broadcast_in_dim3A_117 : vector<16xf32> to vector<1x16xf32>
      tpu.vector_store %arg11[%swap3A_118, %swap3A_119], %swap3A_122 {strides = array<i32>} : memref<128x128xf32, #tpu.memory_space<vmem>>, vector<1x16xf32>,
    }
    %scan3A_61 = arith.constant 128 : i32
    %eq3A = arith.constant 0 : i32
    %eq3A_62 = arith.cmpi eq, %arg1, %eq3A : i32
    %convert_element_type3A = arith.extui %eq3A_62 : i1 to i32
    %cond3A = arith.constant 0 : i32
    %cond3A_63 = arith.cmpi ne, %convert_element_type3A, %cond3A : i32
    scf.if %cond3A_63 {
      "tpu.region"() ({
        %run_scoped3A = tpu.sem_alloc : memref<!tpu.dma_semaphore, #tpu.memory_space<semaphore_mem>>
        %dma_start3A_76 = arith.constant 0 : i32
        %dma_start3A_77 = arith.constant 0 : i32
        %dma_start3A_78 = tpu.memref_slice %arg12[%dma_start3A_76, %dma_start3A_77] : memref<4096x128xf32, #tpu.memory_space<vmem_shared>> -> memref<128x128xf32, #tpu.memory_space<vmem_shared>>
        %dma_start3A_79 = arith.constant 0 : i32
        %dma_start3A_80 = arith.constant 0 : i32
        %dma_start3A_81 = tpu.memref_slice %arg12[%dma_start3A_79, %dma_start3A_80] : memref<4096x128xf32, #tpu.memory_space<vmem_shared>> -> memref<128x128xf32, #tpu.memory_space<vmem_shared>>
        tpu.enqueue_dma source(%arg11 : memref<128x128xf32, #tpu.memory_space<vmem>>) target(%dma_start3A_81 : memref<128x128xf32, #tpu.memory_space<vmem_shared>>) target_semaphore(%run_scoped3A : memref<!tpu.dma_semaphore, #tpu.memory_space<semaphore_mem>>)
        %dma_wait3A_82 = arith.constant 0 : i32
        %dma_wait3A_83 = arith.constant 0 : i32
        %dma_wait3A_84 = tpu.memref_slice %arg12[%dma_wait3A_82, %dma_wait3A_83] : memref<4096x128xf32, #tpu.memory_space<vmem_shared>> -> memref<128x128xf32, #tpu.memory_space<vmem_shared>>
        %dma_wait3A_85 = arith.constant 0 : i32
        %dma_wait3A_86 = arith.constant 0 : i32
        %dma_wait3A_87 = tpu.memref_slice %arg12[%dma_wait3A_85, %dma_wait3A_86] : memref<4096x128xf32, #tpu.memory_space<vmem_shared>> -> memref<128x128xf32, #tpu.memory_space<vmem_shared>>
        tpu.wait_dma2 semaphore(%run_scoped3A : memref<!tpu.dma_semaphore, #tpu.memory_space<semaphore_mem>>) src(%arg11 : memref<128x128xf32, #tpu.memory_space<vmem>>) dst(%dma_wait3A_87 : memref<128x128xf32, #tpu.memory_space<vmem_shared>>)
        tpu.yield
      }) : () -> ()
      "tpu.region"() ({
        %run_scoped3A = tpu.sem_alloc : memref<!tpu.dma_semaphore, #tpu.memory_space<semaphore_mem>>
        %dma_start3A_76 = arith.constant 128 : i32
        %dma_start3A_77 = arith.constant 0 : i32
        %dma_start3A_78 = tpu.memref_slice %arg12[%dma_start3A_76, %dma_start3A_77] : memref<4096x128xf32, #tpu.memory_space<vmem_shared>> -> memref<128x128xf32, #tpu.memory_space<vmem_shared>>
        %dma_start3A_79 = arith.constant 128 : i32
        %dma_start3A_80 = arith.constant 0 : i32
        %dma_start3A_81 = tpu.memref_slice %arg12[%dma_start3A_79, %dma_start3A_80] : memref<4096x128xf32, #tpu.memory_space<vmem_shared>> -> memref<128x128xf32, #tpu.memory_space<vmem_shared>>
        tpu.enqueue_dma source(%arg11 : memref<128x128xf32, #tpu.memory_space<vmem>>) target(%dma_start3A_81 : memref<128x128xf32, #tpu.memory_space<vmem_shared>>) target_semaphore(%run_scoped3A : memref<!tpu.dma_semaphore, #tpu.memory_space<semaphore_mem>>)
        %dma_wait3A_82 = arith.constant 128 : i32
        %dma_wait3A_83 = arith.constant 0 : i32
        %dma_wait3A_84 = tpu.memref_slice %arg12[%dma_wait3A_82, %dma_wait3A_83] : memref<4096x128xf32, #tpu.memory_space<vmem_shared>> -> memref<128x128xf32, #tpu.memory_space<vmem_shared>>
        %dma_wait3A_85 = arith.constant 128 : i32
        %dma_wait3A_86 = arith.constant 0 : i32
        %dma_wait3A_87 = tpu.memref_slice %arg12[%dma_wait3A_85, %dma_wait3A_86] : memref<4096x128xf32, #tpu.memory_space<vmem_shared>> -> memref<128x128xf32, #tpu.memory_space<vmem_shared>>
        tpu.wait_dma2 semaphore(%run_scoped3A : memref<!tpu.dma_semaphore, #tpu.memory_space<semaphore_mem>>) src(%arg11 : memref<128x128xf32, #tpu.memory_space<vmem>>) dst(%dma_wait3A_87 : memref<128x128xf32, #tpu.memory_space<vmem_shared>>)
        tpu.yield
      }) : () -> ()
      "tpu.region"() ({
        %run_scoped3A = tpu.sem_alloc : memref<!tpu.dma_semaphore, #tpu.memory_space<semaphore_mem>>
        %dma_start3A_76 = arith.constant 256 : i32
        %dma_start3A_77 = arith.constant 0 : i32
        %dma_start3A_78 = tpu.memref_slice %arg12[%dma_start3A_76, %dma_start3A_77] : memref<4096x128xf32, #tpu.memory_space<vmem_shared>> -> memref<128x128xf32, #tpu.memory_space<vmem_shared>>
        %dma_start3A_79 = arith.constant 256 : i32
        %dma_start3A_80 = arith.constant 0 : i32
        %dma_start3A_81 = tpu.memref_slice %arg12[%dma_start3A_79, %dma_start3A_80] : memref<4096x128xf32, #tpu.memory_space<vmem_shared>> -> memref<128x128xf32, #tpu.memory_space<vmem_shared>>
        tpu.enqueue_dma source(%arg11 : memref<128x128xf32, #tpu.memory_space<vmem>>) target(%dma_start3A_81 : memref<128x128xf32, #tpu.memory_space<vmem_shared>>) target_semaphore(%run_scoped3A : memref<!tpu.dma_semaphore, #tpu.memory_space<semaphore_mem>>)
        %dma_wait3A_82 = arith.constant 256 : i32
        %dma_wait3A_83 = arith.constant 0 : i32
        %dma_wait3A_84 = tpu.memref_slice %arg12[%dma_wait3A_82, %dma_wait3A_83] : memref<4096x128xf32, #tpu.memory_space<vmem_shared>> -> memref<128x128xf32, #tpu.memory_space<vmem_shared>>
        %dma_wait3A_85 = arith.constant 256 : i32
        %dma_wait3A_86 = arith.constant 0 : i32
        %dma_wait3A_87 = tpu.memref_slice %arg12[%dma_wait3A_85, %dma_wait3A_86] : memref<4096x128xf32, #tpu.memory_space<vmem_shared>> -> memref<128x128xf32, #tpu.memory_space<vmem_shared>>
        tpu.wait_dma2 semaphore(%run_scoped3A : memref<!tpu.dma_semaphore, #tpu.memory_space<semaphore_mem>>) src(%arg11 : memref<128x128xf32, #tpu.memory_space<vmem>>) dst(%dma_wait3A_87 : memref<128x128xf32, #tpu.memory_space<vmem_shared>>)
        tpu.yield
      }) : () -> ()
      "tpu.region"() ({
        %run_scoped3A = tpu.sem_alloc : memref<!tpu.dma_semaphore, #tpu.memory_space<semaphore_mem>>
        %dma_start3A_76 = arith.constant 384 : i32
        %dma_start3A_77 = arith.constant 0 : i32
        %dma_start3A_78 = tpu.memref_slice %arg12[%dma_start3A_76, %dma_start3A_77] : memref<4096x128xf32, #tpu.memory_space<vmem_shared>> -> memref<128x128xf32, #tpu.memory_space<vmem_shared>>
        %dma_start3A_79 = arith.constant 384 : i32
        %dma_start3A_80 = arith.constant 0 : i32
        %dma_start3A_81 = tpu.memref_slice %arg12[%dma_start3A_79, %dma_start3A_80] : memref<4096x128xf32, #tpu.memory_space<vmem_shared>> -> memref<128x128xf32, #tpu.memory_space<vmem_shared>>
        tpu.enqueue_dma source(%arg11 : memref<128x128xf32, #tpu.memory_space<vmem>>) target(%dma_start3A_81 : memref<128x128xf32, #tpu.memory_space<vmem_shared>>) target_semaphore(%run_scoped3A : memref<!tpu.dma_semaphore, #tpu.memory_space<semaphore_mem>>)
        %dma_wait3A_82 = arith.constant 384 : i32
        %dma_wait3A_83 = arith.constant 0 : i32
        %dma_wait3A_84 = tpu.memref_slice %arg12[%dma_wait3A_82, %dma_wait3A_83] : memref<4096x128xf32, #tpu.memory_space<vmem_shared>> -> memref<128x128xf32, #tpu.memory_space<vmem_shared>>
        %dma_wait3A_85 = arith.constant 384 : i32
        %dma_wait3A_86 = arith.constant 0 : i32
        %dma_wait3A_87 = tpu.memref_slice %arg12[%dma_wait3A_85, %dma_wait3A_86] : memref<4096x128xf32, #tpu.memory_space<vmem_shared>> -> memref<128x128xf32, #tpu.memory_space<vmem_shared>>
        tpu.wait_dma2 semaphore(%run_scoped3A : memref<!tpu.dma_semaphore, #tpu.memory_space<semaphore_mem>>) src(%arg11 : memref<128x128xf32, #tpu.memory_space<vmem>>) dst(%dma_wait3A_87 : memref<128x128xf32, #tpu.memory_space<vmem_shared>>)
        tpu.yield
      }) : () -> ()
      "tpu.region"() ({
        %run_scoped3A = tpu.sem_alloc : memref<!tpu.dma_semaphore, #tpu.memory_space<semaphore_mem>>
        %dma_start3A_76 = arith.constant 512 : i32
        %dma_start3A_77 = arith.constant 0 : i32
        %dma_start3A_78 = tpu.memref_slice %arg12[%dma_start3A_76, %dma_start3A_77] : memref<4096x128xf32, #tpu.memory_space<vmem_shared>> -> memref<128x128xf32, #tpu.memory_space<vmem_shared>>
        %dma_start3A_79 = arith.constant 512 : i32
        %dma_start3A_80 = arith.constant 0 : i32
        %dma_start3A_81 = tpu.memref_slice %arg12[%dma_start3A_79, %dma_start3A_80] : memref<4096x128xf32, #tpu.memory_space<vmem_shared>> -> memref<128x128xf32, #tpu.memory_space<vmem_shared>>
        tpu.enqueue_dma source(%arg11 : memref<128x128xf32, #tpu.memory_space<vmem>>) target(%dma_start3A_81 : memref<128x128xf32, #tpu.memory_space<vmem_shared>>) target_semaphore(%run_scoped3A : memref<!tpu.dma_semaphore, #tpu.memory_space<semaphore_mem>>)
        %dma_wait3A_82 = arith.constant 512 : i32
        %dma_wait3A_83 = arith.constant 0 : i32
        %dma_wait3A_84 = tpu.memref_slice %arg12[%dma_wait3A_82, %dma_wait3A_83] : memref<4096x128xf32, #tpu.memory_space<vmem_shared>> -> memref<128x128xf32, #tpu.memory_space<vmem_shared>>
        %dma_wait3A_85 = arith.constant 512 : i32
        %dma_wait3A_86 = arith.constant 0 : i32
        %dma_wait3A_87 = tpu.memref_slice %arg12[%dma_wait3A_85, %dma_wait3A_86] : memref<4096x128xf32, #tpu.memory_space<vmem_shared>> -> memref<128x128xf32, #tpu.memory_space<vmem_shared>>
        tpu.wait_dma2 semaphore(%run_scoped3A : memref<!tpu.dma_semaphore, #tpu.memory_space<semaphore_mem>>) src(%arg11 : memref<128x128xf32, #tpu.memory_space<vmem>>) dst(%dma_wait3A_87 : memref<128x128xf32, #tpu.memory_space<vmem_shared>>)
        tpu.yield
      }) : () -> ()
      "tpu.region"() ({
        %run_scoped3A = tpu.sem_alloc : memref<!tpu.dma_semaphore, #tpu.memory_space<semaphore_mem>>
        %dma_start3A_76 = arith.constant 640 : i32
        %dma_start3A_77 = arith.constant 0 : i32
        %dma_start3A_78 = tpu.memref_slice %arg12[%dma_start3A_76, %dma_start3A_77] : memref<4096x128xf32, #tpu.memory_space<vmem_shared>> -> memref<128x128xf32, #tpu.memory_space<vmem_shared>>
        %dma_start3A_79 = arith.constant 640 : i32
        %dma_start3A_80 = arith.constant 0 : i32
        %dma_start3A_81 = tpu.memref_slice %arg12[%dma_start3A_79, %dma_start3A_80] : memref<4096x128xf32, #tpu.memory_space<vmem_shared>> -> memref<128x128xf32, #tpu.memory_space<vmem_shared>>
        tpu.enqueue_dma source(%arg11 : memref<128x128xf32, #tpu.memory_space<vmem>>) target(%dma_start3A_81 : memref<128x128xf32, #tpu.memory_space<vmem_shared>>) target_semaphore(%run_scoped3A : memref<!tpu.dma_semaphore, #tpu.memory_space<semaphore_mem>>)
        %dma_wait3A_82 = arith.constant 640 : i32
        %dma_wait3A_83 = arith.constant 0 : i32
        %dma_wait3A_84 = tpu.memref_slice %arg12[%dma_wait3A_82, %dma_wait3A_83] : memref<4096x128xf32, #tpu.memory_space<vmem_shared>> -> memref<128x128xf32, #tpu.memory_space<vmem_shared>>
        %dma_wait3A_85 = arith.constant 640 : i32
        %dma_wait3A_86 = arith.constant 0 : i32
        %dma_wait3A_87 = tpu.memref_slice %arg12[%dma_wait3A_85, %dma_wait3A_86] : memref<4096x128xf32, #tpu.memory_space<vmem_shared>> -> memref<128x128xf32, #tpu.memory_space<vmem_shared>>
        tpu.wait_dma2 semaphore(%run_scoped3A : memref<!tpu.dma_semaphore, #tpu.memory_space<semaphore_mem>>) src(%arg11 : memref<128x128xf32, #tpu.memory_space<vmem>>) dst(%dma_wait3A_87 : memref<128x128xf32, #tpu.memory_space<vmem_shared>>)
        tpu.yield
      }) : () -> ()
      "tpu.region"() ({
        %run_scoped3A = tpu.sem_alloc : memref<!tpu.dma_semaphore, #tpu.memory_space<semaphore_mem>>
        %dma_start3A_76 = arith.constant 768 : i32
        %dma_start3A_77 = arith.constant 0 : i32
        %dma_start3A_78 = tpu.memref_slice %arg12[%dma_start3A_76, %dma_start3A_77] : memref<4096x128xf32, #tpu.memory_space<vmem_shared>> -> memref<128x128xf32, #tpu.memory_space<vmem_shared>>
        %dma_start3A_79 = arith.constant 768 : i32
        %dma_start3A_80 = arith.constant 0 : i32
        %dma_start3A_81 = tpu.memref_slice %arg12[%dma_start3A_79, %dma_start3A_80] : memref<4096x128xf32, #tpu.memory_space<vmem_shared>> -> memref<128x128xf32, #tpu.memory_space<vmem_shared>>
        tpu.enqueue_dma source(%arg11 : memref<128x128xf32, #tpu.memory_space<vmem>>) target(%dma_start3A_81 : memref<128x128xf32, #tpu.memory_space<vmem_shared>>) target_semaphore(%run_scoped3A : memref<!tpu.dma_semaphore, #tpu.memory_space<semaphore_mem>>)
        %dma_wait3A_82 = arith.constant 768 : i32
        %dma_wait3A_83 = arith.constant 0 : i32
        %dma_wait3A_84 = tpu.memref_slice %arg12[%dma_wait3A_82, %dma_wait3A_83] : memref<4096x128xf32, #tpu.memory_space<vmem_shared>> -> memref<128x128xf32, #tpu.memory_space<vmem_shared>>
        %dma_wait3A_85 = arith.constant 768 : i32
        %dma_wait3A_86 = arith.constant 0 : i32
        %dma_wait3A_87 = tpu.memref_slice %arg12[%dma_wait3A_85, %dma_wait3A_86] : memref<4096x128xf32, #tpu.memory_space<vmem_shared>> -> memref<128x128xf32, #tpu.memory_space<vmem_shared>>
        tpu.wait_dma2 semaphore(%run_scoped3A : memref<!tpu.dma_semaphore, #tpu.memory_space<semaphore_mem>>) src(%arg11 : memref<128x128xf32, #tpu.memory_space<vmem>>) dst(%dma_wait3A_87 : memref<128x128xf32, #tpu.memory_space<vmem_shared>>)
        tpu.yield
      }) : () -> ()
      "tpu.region"() ({
        %run_scoped3A = tpu.sem_alloc : memref<!tpu.dma_semaphore, #tpu.memory_space<semaphore_mem>>
        %dma_start3A_76 = arith.constant 896 : i32
        %dma_start3A_77 = arith.constant 0 : i32
        %dma_start3A_78 = tpu.memref_slice %arg12[%dma_start3A_76, %dma_start3A_77] : memref<4096x128xf32, #tpu.memory_space<vmem_shared>> -> memref<128x128xf32, #tpu.memory_space<vmem_shared>>
        %dma_start3A_79 = arith.constant 896 : i32
        %dma_start3A_80 = arith.constant 0 : i32
        %dma_start3A_81 = tpu.memref_slice %arg12[%dma_start3A_79, %dma_start3A_80] : memref<4096x128xf32, #tpu.memory_space<vmem_shared>> -> memref<128x128xf32, #tpu.memory_space<vmem_shared>>
        tpu.enqueue_dma source(%arg11 : memref<128x128xf32, #tpu.memory_space<vmem>>) target(%dma_start3A_81 : memref<128x128xf32, #tpu.memory_space<vmem_shared>>) target_semaphore(%run_scoped3A : memref<!tpu.dma_semaphore, #tpu.memory_space<semaphore_mem>>)
        %dma_wait3A_82 = arith.constant 896 : i32
        %dma_wait3A_83 = arith.constant 0 : i32
        %dma_wait3A_84 = tpu.memref_slice %arg12[%dma_wait3A_82, %dma_wait3A_83] : memref<4096x128xf32, #tpu.memory_space<vmem_shared>> -> memref<128x128xf32, #tpu.memory_space<vmem_shared>>
        %dma_wait3A_85 = arith.constant 896 : i32
        %dma_wait3A_86 = arith.constant 0 : i32
        %dma_wait3A_87 = tpu.memref_slice %arg12[%dma_wait3A_85, %dma_wait3A_86] : memref<4096x128xf32, #tpu.memory_space<vmem_shared>> -> memref<128x128xf32, #tpu.memory_space<vmem_shared>>
        tpu.wait_dma2 semaphore(%run_scoped3A : memref<!tpu.dma_semaphore, #tpu.memory_space<semaphore_mem>>) src(%arg11 : memref<128x128xf32, #tpu.memory_space<vmem>>) dst(%dma_wait3A_87 : memref<128x128xf32, #tpu.memory_space<vmem_shared>>)
        tpu.yield
      }) : () -> ()
      "tpu.region"() ({
        %run_scoped3A = tpu.sem_alloc : memref<!tpu.dma_semaphore, #tpu.memory_space<semaphore_mem>>
        %dma_start3A_76 = arith.constant 1024 : i32
        %dma_start3A_77 = arith.constant 0 : i32
        %dma_start3A_78 = tpu.memref_slice %arg12[%dma_start3A_76, %dma_start3A_77] : memref<4096x128xf32, #tpu.memory_space<vmem_shared>> -> memref<128x128xf32, #tpu.memory_space<vmem_shared>>
        %dma_start3A_79 = arith.constant 1024 : i32
        %dma_start3A_80 = arith.constant 0 : i32
        %dma_start3A_81 = tpu.memref_slice %arg12[%dma_start3A_79, %dma_start3A_80] : memref<4096x128xf32, #tpu.memory_space<vmem_shared>> -> memref<128x128xf32, #tpu.memory_space<vmem_shared>>
        tpu.enqueue_dma source(%arg11 : memref<128x128xf32, #tpu.memory_space<vmem>>) target(%dma_start3A_81 : memref<128x128xf32, #tpu.memory_space<vmem_shared>>) target_semaphore(%run_scoped3A : memref<!tpu.dma_semaphore, #tpu.memory_space<semaphore_mem>>)
        %dma_wait3A_82 = arith.constant 1024 : i32
        %dma_wait3A_83 = arith.constant 0 : i32
        %dma_wait3A_84 = tpu.memref_slice %arg12[%dma_wait3A_82, %dma_wait3A_83] : memref<4096x128xf32, #tpu.memory_space<vmem_shared>> -> memref<128x128xf32, #tpu.memory_space<vmem_shared>>
        %dma_wait3A_85 = arith.constant 1024 : i32
        %dma_wait3A_86 = arith.constant 0 : i32
        %dma_wait3A_87 = tpu.memref_slice %arg12[%dma_wait3A_85, %dma_wait3A_86] : memref<4096x128xf32, #tpu.memory_space<vmem_shared>> -> memref<128x128xf32, #tpu.memory_space<vmem_shared>>
        tpu.wait_dma2 semaphore(%run_scoped3A : memref<!tpu.dma_semaphore, #tpu.memory_space<semaphore_mem>>) src(%arg11 : memref<128x128xf32, #tpu.memory_space<vmem>>) dst(%dma_wait3A_87 : memref<128x128xf32, #tpu.memory_space<vmem_shared>>)
        tpu.yield
      }) : () -> ()
      "tpu.region"() ({
        %run_scoped3A = tpu.sem_alloc : memref<!tpu.dma_semaphore, #tpu.memory_space<semaphore_mem>>
        %dma_start3A_76 = arith.constant 1152 : i32
        %dma_start3A_77 = arith.constant 0 : i32
        %dma_start3A_78 = tpu.memref_slice %arg12[%dma_start3A_76, %dma_start3A_77] : memref<4096x128xf32, #tpu.memory_space<vmem_shared>> -> memref<128x128xf32, #tpu.memory_space<vmem_shared>>
        %dma_start3A_79 = arith.constant 1152 : i32
        %dma_start3A_80 = arith.constant 0 : i32
        %dma_start3A_81 = tpu.memref_slice %arg12[%dma_start3A_79, %dma_start3A_80] : memref<4096x128xf32, #tpu.memory_space<vmem_shared>> -> memref<128x128xf32, #tpu.memory_space<vmem_shared>>
        tpu.enqueue_dma source(%arg11 : memref<128x128xf32, #tpu.memory_space<vmem>>) target(%dma_start3A_81 : memref<128x128xf32, #tpu.memory_space<vmem_shared>>) target_semaphore(%run_scoped3A : memref<!tpu.dma_semaphore, #tpu.memory_space<semaphore_mem>>)
        %dma_wait3A_82 = arith.constant 1152 : i32
        %dma_wait3A_83 = arith.constant 0 : i32
        %dma_wait3A_84 = tpu.memref_slice %arg12[%dma_wait3A_82, %dma_wait3A_83] : memref<4096x128xf32, #tpu.memory_space<vmem_shared>> -> memref<128x128xf32, #tpu.memory_space<vmem_shared>>
        %dma_wait3A_85 = arith.constant 1152 : i32
        %dma_wait3A_86 = arith.constant 0 : i32
        %dma_wait3A_87 = tpu.memref_slice %arg12[%dma_wait3A_85, %dma_wait3A_86] : memref<4096x128xf32, #tpu.memory_space<vmem_shared>> -> memref<128x128xf32, #tpu.memory_space<vmem_shared>>
        tpu.wait_dma2 semaphore(%run_scoped3A : memref<!tpu.dma_semaphore, #tpu.memory_space<semaphore_mem>>) src(%arg11 : memref<128x128xf32, #tpu.memory_space<vmem>>) dst(%dma_wait3A_87 : memref<128x128xf32, #tpu.memory_space<vmem_shared>>)
        tpu.yield
      }) : () -> ()
      "tpu.region"() ({
        %run_scoped3A = tpu.sem_alloc : memref<!tpu.dma_semaphore, #tpu.memory_space<semaphore_mem>>
        %dma_start3A_76 = arith.constant 1280 : i32
        %dma_start3A_77 = arith.constant 0 : i32
        %dma_start3A_78 = tpu.memref_slice %arg12[%dma_start3A_76, %dma_start3A_77] : memref<4096x128xf32, #tpu.memory_space<vmem_shared>> -> memref<128x128xf32, #tpu.memory_space<vmem_shared>>
        %dma_start3A_79 = arith.constant 1280 : i32
        %dma_start3A_80 = arith.constant 0 : i32
        %dma_start3A_81 = tpu.memref_slice %arg12[%dma_start3A_79, %dma_start3A_80] : memref<4096x128xf32, #tpu.memory_space<vmem_shared>> -> memref<128x128xf32, #tpu.memory_space<vmem_shared>>
        tpu.enqueue_dma source(%arg11 : memref<128x128xf32, #tpu.memory_space<vmem>>) target(%dma_start3A_81 : memref<128x128xf32, #tpu.memory_space<vmem_shared>>) target_semaphore(%run_scoped3A : memref<!tpu.dma_semaphore, #tpu.memory_space<semaphore_mem>>)
        %dma_wait3A_82 = arith.constant 1280 : i32
        %dma_wait3A_83 = arith.constant 0 : i32
        %dma_wait3A_84 = tpu.memref_slice %arg12[%dma_wait3A_82, %dma_wait3A_83] : memref<4096x128xf32, #tpu.memory_space<vmem_shared>> -> memref<128x128xf32, #tpu.memory_space<vmem_shared>>
        %dma_wait3A_85 = arith.constant 1280 : i32
        %dma_wait3A_86 = arith.constant 0 : i32
        %dma_wait3A_87 = tpu.memref_slice %arg12[%dma_wait3A_85, %dma_wait3A_86] : memref<4096x128xf32, #tpu.memory_space<vmem_shared>> -> memref<128x128xf32, #tpu.memory_space<vmem_shared>>
        tpu.wait_dma2 semaphore(%run_scoped3A : memref<!tpu.dma_semaphore, #tpu.memory_space<semaphore_mem>>) src(%arg11 : memref<128x128xf32, #tpu.memory_space<vmem>>) dst(%dma_wait3A_87 : memref<128x128xf32, #tpu.memory_space<vmem_shared>>)
        tpu.yield
      }) : () -> ()
      "tpu.region"() ({
        %run_scoped3A = tpu.sem_alloc : memref<!tpu.dma_semaphore, #tpu.memory_space<semaphore_mem>>
        %dma_start3A_76 = arith.constant 1408 : i32
        %dma_start3A_77 = arith.constant 0 : i32
        %dma_start3A_78 = tpu.memref_slice %arg12[%dma_start3A_76, %dma_start3A_77] : memref<4096x128xf32, #tpu.memory_space<vmem_shared>> -> memref<128x128xf32, #tpu.memory_space<vmem_shared>>
        %dma_start3A_79 = arith.constant 1408 : i32
        %dma_start3A_80 = arith.constant 0 : i32
        %dma_start3A_81 = tpu.memref_slice %arg12[%dma_start3A_79, %dma_start3A_80] : memref<4096x128xf32, #tpu.memory_space<vmem_shared>> -> memref<128x128xf32, #tpu.memory_space<vmem_shared>>
        tpu.enqueue_dma source(%arg11 : memref<128x128xf32, #tpu.memory_space<vmem>>) target(%dma_start3A_81 : memref<128x128xf32, #tpu.memory_space<vmem_shared>>) target_semaphore(%run_scoped3A : memref<!tpu.dma_semaphore, #tpu.memory_space<semaphore_mem>>)
        %dma_wait3A_82 = arith.constant 1408 : i32
        %dma_wait3A_83 = arith.constant 0 : i32
        %dma_wait3A_84 = tpu.memref_slice %arg12[%dma_wait3A_82, %dma_wait3A_83] : memref<4096x128xf32, #tpu.memory_space<vmem_shared>> -> memref<128x128xf32, #tpu.memory_space<vmem_shared>>
        %dma_wait3A_85 = arith.constant 1408 : i32
        %dma_wait3A_86 = arith.constant 0 : i32
        %dma_wait3A_87 = tpu.memref_slice %arg12[%dma_wait3A_85, %dma_wait3A_86] : memref<4096x128xf32, #tpu.memory_space<vmem_shared>> -> memref<128x128xf32, #tpu.memory_space<vmem_shared>>
        tpu.wait_dma2 semaphore(%run_scoped3A : memref<!tpu.dma_semaphore, #tpu.memory_space<semaphore_mem>>) src(%arg11 : memref<128x128xf32, #tpu.memory_space<vmem>>) dst(%dma_wait3A_87 : memref<128x128xf32, #tpu.memory_space<vmem_shared>>)
        tpu.yield
      }) : () -> ()
      "tpu.region"() ({
        %run_scoped3A = tpu.sem_alloc : memref<!tpu.dma_semaphore, #tpu.memory_space<semaphore_mem>>
        %dma_start3A_76 = arith.constant 1536 : i32
        %dma_start3A_77 = arith.constant 0 : i32
        %dma_start3A_78 = tpu.memref_slice %arg12[%dma_start3A_76, %dma_start3A_77] : memref<4096x128xf32, #tpu.memory_space<vmem_shared>> -> memref<128x128xf32, #tpu.memory_space<vmem_shared>>
        %dma_start3A_79 = arith.constant 1536 : i32
        %dma_start3A_80 = arith.constant 0 : i32
        %dma_start3A_81 = tpu.memref_slice %arg12[%dma_start3A_79, %dma_start3A_80] : memref<4096x128xf32, #tpu.memory_space<vmem_shared>> -> memref<128x128xf32, #tpu.memory_space<vmem_shared>>
        tpu.enqueue_dma source(%arg11 : memref<128x128xf32, #tpu.memory_space<vmem>>) target(%dma_start3A_81 : memref<128x128xf32, #tpu.memory_space<vmem_shared>>) target_semaphore(%run_scoped3A : memref<!tpu.dma_semaphore, #tpu.memory_space<semaphore_mem>>)
        %dma_wait3A_82 = arith.constant 1536 : i32
        %dma_wait3A_83 = arith.constant 0 : i32
        %dma_wait3A_84 = tpu.memref_slice %arg12[%dma_wait3A_82, %dma_wait3A_83] : memref<4096x128xf32, #tpu.memory_space<vmem_shared>> -> memref<128x128xf32, #tpu.memory_space<vmem_shared>>
        %dma_wait3A_85 = arith.constant 1536 : i32
        %dma_wait3A_86 = arith.constant 0 : i32
        %dma_wait3A_87 = tpu.memref_slice %arg12[%dma_wait3A_85, %dma_wait3A_86] : memref<4096x128xf32, #tpu.memory_space<vmem_shared>> -> memref<128x128xf32, #tpu.memory_space<vmem_shared>>
        tpu.wait_dma2 semaphore(%run_scoped3A : memref<!tpu.dma_semaphore, #tpu.memory_space<semaphore_mem>>) src(%arg11 : memref<128x128xf32, #tpu.memory_space<vmem>>) dst(%dma_wait3A_87 : memref<128x128xf32, #tpu.memory_space<vmem_shared>>)
        tpu.yield
      }) : () -> ()
      "tpu.region"() ({
        %run_scoped3A = tpu.sem_alloc : memref<!tpu.dma_semaphore, #tpu.memory_space<semaphore_mem>>
        %dma_start3A_76 = arith.constant 1664 : i32
        %dma_start3A_77 = arith.constant 0 : i32
        %dma_start3A_78 = tpu.memref_slice %arg12[%dma_start3A_76, %dma_start3A_77] : memref<4096x128xf32, #tpu.memory_space<vmem_shared>> -> memref<128x128xf32, #tpu.memory_space<vmem_shared>>
        %dma_start3A_79 = arith.constant 1664 : i32
        %dma_start3A_80 = arith.constant 0 : i32
        %dma_start3A_81 = tpu.memref_slice %arg12[%dma_start3A_79, %dma_start3A_80] : memref<4096x128xf32, #tpu.memory_space<vmem_shared>> -> memref<128x128xf32, #tpu.memory_space<vmem_shared>>
        tpu.enqueue_dma source(%arg11 : memref<128x128xf32, #tpu.memory_space<vmem>>) target(%dma_start3A_81 : memref<128x128xf32, #tpu.memory_space<vmem_shared>>) target_semaphore(%run_scoped3A : memref<!tpu.dma_semaphore, #tpu.memory_space<semaphore_mem>>)
        %dma_wait3A_82 = arith.constant 1664 : i32
        %dma_wait3A_83 = arith.constant 0 : i32
        %dma_wait3A_84 = tpu.memref_slice %arg12[%dma_wait3A_82, %dma_wait3A_83] : memref<4096x128xf32, #tpu.memory_space<vmem_shared>> -> memref<128x128xf32, #tpu.memory_space<vmem_shared>>
        %dma_wait3A_85 = arith.constant 1664 : i32
        %dma_wait3A_86 = arith.constant 0 : i32
        %dma_wait3A_87 = tpu.memref_slice %arg12[%dma_wait3A_85, %dma_wait3A_86] : memref<4096x128xf32, #tpu.memory_space<vmem_shared>> -> memref<128x128xf32, #tpu.memory_space<vmem_shared>>
        tpu.wait_dma2 semaphore(%run_scoped3A : memref<!tpu.dma_semaphore, #tpu.memory_space<semaphore_mem>>) src(%arg11 : memref<128x128xf32, #tpu.memory_space<vmem>>) dst(%dma_wait3A_87 : memref<128x128xf32, #tpu.memory_space<vmem_shared>>)
        tpu.yield
      }) : () -> ()
      "tpu.region"() ({
        %run_scoped3A = tpu.sem_alloc : memref<!tpu.dma_semaphore, #tpu.memory_space<semaphore_mem>>
        %dma_start3A_76 = arith.constant 1792 : i32
        %dma_start3A_77 = arith.constant 0 : i32
        %dma_start3A_78 = tpu.memref_slice %arg12[%dma_start3A_76, %dma_start3A_77] : memref<4096x128xf32, #tpu.memory_space<vmem_shared>> -> memref<128x128xf32, #tpu.memory_space<vmem_shared>>
        %dma_start3A_79 = arith.constant 1792 : i32
        %dma_start3A_80 = arith.constant 0 : i32
        %dma_start3A_81 = tpu.memref_slice %arg12[%dma_start3A_79, %dma_start3A_80] : memref<4096x128xf32, #tpu.memory_space<vmem_shared>> -> memref<128x128xf32, #tpu.memory_space<vmem_shared>>
        tpu.enqueue_dma source(%arg11 : memref<128x128xf32, #tpu.memory_space<vmem>>) target(%dma_start3A_81 : memref<128x128xf32, #tpu.memory_space<vmem_shared>>) target_semaphore(%run_scoped3A : memref<!tpu.dma_semaphore, #tpu.memory_space<semaphore_mem>>)
        %dma_wait3A_82 = arith.constant 1792 : i32
        %dma_wait3A_83 = arith.constant 0 : i32
        %dma_wait3A_84 = tpu.memref_slice %arg12[%dma_wait3A_82, %dma_wait3A_83] : memref<4096x128xf32, #tpu.memory_space<vmem_shared>> -> memref<128x128xf32, #tpu.memory_space<vmem_shared>>
        %dma_wait3A_85 = arith.constant 1792 : i32
        %dma_wait3A_86 = arith.constant 0 : i32
        %dma_wait3A_87 = tpu.memref_slice %arg12[%dma_wait3A_85, %dma_wait3A_86] : memref<4096x128xf32, #tpu.memory_space<vmem_shared>> -> memref<128x128xf32, #tpu.memory_space<vmem_shared>>
        tpu.wait_dma2 semaphore(%run_scoped3A : memref<!tpu.dma_semaphore, #tpu.memory_space<semaphore_mem>>) src(%arg11 : memref<128x128xf32, #tpu.memory_space<vmem>>) dst(%dma_wait3A_87 : memref<128x128xf32, #tpu.memory_space<vmem_shared>>)
        tpu.yield
      }) : () -> ()
      "tpu.region"() ({
        %run_scoped3A = tpu.sem_alloc : memref<!tpu.dma_semaphore, #tpu.memory_space<semaphore_mem>>
        %dma_start3A_76 = arith.constant 1920 : i32
        %dma_start3A_77 = arith.constant 0 : i32
        %dma_start3A_78 = tpu.memref_slice %arg12[%dma_start3A_76, %dma_start3A_77] : memref<4096x128xf32, #tpu.memory_space<vmem_shared>> -> memref<128x128xf32, #tpu.memory_space<vmem_shared>>
        %dma_start3A_79 = arith.constant 1920 : i32
        %dma_start3A_80 = arith.constant 0 : i32
        %dma_start3A_81 = tpu.memref_slice %arg12[%dma_start3A_79, %dma_start3A_80] : memref<4096x128xf32, #tpu.memory_space<vmem_shared>> -> memref<128x128xf32, #tpu.memory_space<vmem_shared>>
        tpu.enqueue_dma source(%arg11 : memref<128x128xf32, #tpu.memory_space<vmem>>) target(%dma_start3A_81 : memref<128x128xf32, #tpu.memory_space<vmem_shared>>) target_semaphore(%run_scoped3A : memref<!tpu.dma_semaphore, #tpu.memory_space<semaphore_mem>>)
        %dma_wait3A_82 = arith.constant 1920 : i32
        %dma_wait3A_83 = arith.constant 0 : i32
        %dma_wait3A_84 = tpu.memref_slice %arg12[%dma_wait3A_82, %dma_wait3A_83] : memref<4096x128xf32, #tpu.memory_space<vmem_shared>> -> memref<128x128xf32, #tpu.memory_space<vmem_shared>>
        %dma_wait3A_85 = arith.constant 1920 : i32
        %dma_wait3A_86 = arith.constant 0 : i32
        %dma_wait3A_87 = tpu.memref_slice %arg12[%dma_wait3A_85, %dma_wait3A_86] : memref<4096x128xf32, #tpu.memory_space<vmem_shared>> -> memref<128x128xf32, #tpu.memory_space<vmem_shared>>
        tpu.wait_dma2 semaphore(%run_scoped3A : memref<!tpu.dma_semaphore, #tpu.memory_space<semaphore_mem>>) src(%arg11 : memref<128x128xf32, #tpu.memory_space<vmem>>) dst(%dma_wait3A_87 : memref<128x128xf32, #tpu.memory_space<vmem_shared>>)
        tpu.yield
      }) : () -> ()
      "tpu.region"() ({
        %run_scoped3A = tpu.sem_alloc : memref<!tpu.dma_semaphore, #tpu.memory_space<semaphore_mem>>
        %dma_start3A_76 = arith.constant 2048 : i32
        %dma_start3A_77 = arith.constant 0 : i32
        %dma_start3A_78 = tpu.memref_slice %arg12[%dma_start3A_76, %dma_start3A_77] : memref<4096x128xf32, #tpu.memory_space<vmem_shared>> -> memref<128x128xf32, #tpu.memory_space<vmem_shared>>
        %dma_start3A_79 = arith.constant 2048 : i32
        %dma_start3A_80 = arith.constant 0 : i32
        %dma_start3A_81 = tpu.memref_slice %arg12[%dma_start3A_79, %dma_start3A_80] : memref<4096x128xf32, #tpu.memory_space<vmem_shared>> -> memref<128x128xf32, #tpu.memory_space<vmem_shared>>
        tpu.enqueue_dma source(%arg11 : memref<128x128xf32, #tpu.memory_space<vmem>>) target(%dma_start3A_81 : memref<128x128xf32, #tpu.memory_space<vmem_shared>>) target_semaphore(%run_scoped3A : memref<!tpu.dma_semaphore, #tpu.memory_space<semaphore_mem>>)
        %dma_wait3A_82 = arith.constant 2048 : i32
        %dma_wait3A_83 = arith.constant 0 : i32
        %dma_wait3A_84 = tpu.memref_slice %arg12[%dma_wait3A_82, %dma_wait3A_83] : memref<4096x128xf32, #tpu.memory_space<vmem_shared>> -> memref<128x128xf32, #tpu.memory_space<vmem_shared>>
        %dma_wait3A_85 = arith.constant 2048 : i32
        %dma_wait3A_86 = arith.constant 0 : i32
        %dma_wait3A_87 = tpu.memref_slice %arg12[%dma_wait3A_85, %dma_wait3A_86] : memref<4096x128xf32, #tpu.memory_space<vmem_shared>> -> memref<128x128xf32, #tpu.memory_space<vmem_shared>>
        tpu.wait_dma2 semaphore(%run_scoped3A : memref<!tpu.dma_semaphore, #tpu.memory_space<semaphore_mem>>) src(%arg11 : memref<128x128xf32, #tpu.memory_space<vmem>>) dst(%dma_wait3A_87 : memref<128x128xf32, #tpu.memory_space<vmem_shared>>)
        tpu.yield
      }) : () -> ()
      "tpu.region"() ({
        %run_scoped3A = tpu.sem_alloc : memref<!tpu.dma_semaphore, #tpu.memory_space<semaphore_mem>>
        %dma_start3A_76 = arith.constant 2176 : i32
        %dma_start3A_77 = arith.constant 0 : i32
        %dma_start3A_78 = tpu.memref_slice %arg12[%dma_start3A_76, %dma_start3A_77] : memref<4096x128xf32, #tpu.memory_space<vmem_shared>> -> memref<128x128xf32, #tpu.memory_space<vmem_shared>>
        %dma_start3A_79 = arith.constant 2176 : i32
        %dma_start3A_80 = arith.constant 0 : i32
        %dma_start3A_81 = tpu.memref_slice %arg12[%dma_start3A_79, %dma_start3A_80] : memref<4096x128xf32, #tpu.memory_space<vmem_shared>> -> memref<128x128xf32, #tpu.memory_space<vmem_shared>>
        tpu.enqueue_dma source(%arg11 : memref<128x128xf32, #tpu.memory_space<vmem>>) target(%dma_start3A_81 : memref<128x128xf32, #tpu.memory_space<vmem_shared>>) target_semaphore(%run_scoped3A : memref<!tpu.dma_semaphore, #tpu.memory_space<semaphore_mem>>)
        %dma_wait3A_82 = arith.constant 2176 : i32
        %dma_wait3A_83 = arith.constant 0 : i32
        %dma_wait3A_84 = tpu.memref_slice %arg12[%dma_wait3A_82, %dma_wait3A_83] : memref<4096x128xf32, #tpu.memory_space<vmem_shared>> -> memref<128x128xf32, #tpu.memory_space<vmem_shared>>
        %dma_wait3A_85 = arith.constant 2176 : i32
        %dma_wait3A_86 = arith.constant 0 : i32
        %dma_wait3A_87 = tpu.memref_slice %arg12[%dma_wait3A_85, %dma_wait3A_86] : memref<4096x128xf32, #tpu.memory_space<vmem_shared>> -> memref<128x128xf32, #tpu.memory_space<vmem_shared>>
        tpu.wait_dma2 semaphore(%run_scoped3A : memref<!tpu.dma_semaphore, #tpu.memory_space<semaphore_mem>>) src(%arg11 : memref<128x128xf32, #tpu.memory_space<vmem>>) dst(%dma_wait3A_87 : memref<128x128xf32, #tpu.memory_space<vmem_shared>>)
        tpu.yield
      }) : () -> ()
      "tpu.region"() ({
        %run_scoped3A = tpu.sem_alloc : memref<!tpu.dma_semaphore, #tpu.memory_space<semaphore_mem>>
        %dma_start3A_76 = arith.constant 2304 : i32
        %dma_start3A_77 = arith.constant 0 : i32
        %dma_start3A_78 = tpu.memref_slice %arg12[%dma_start3A_76, %dma_start3A_77] : memref<4096x128xf32, #tpu.memory_space<vmem_shared>> -> memref<128x128xf32, #tpu.memory_space<vmem_shared>>
        %dma_start3A_79 = arith.constant 2304 : i32
        %dma_start3A_80 = arith.constant 0 : i32
        %dma_start3A_81 = tpu.memref_slice %arg12[%dma_start3A_79, %dma_start3A_80] : memref<4096x128xf32, #tpu.memory_space<vmem_shared>> -> memref<128x128xf32, #tpu.memory_space<vmem_shared>>
        tpu.enqueue_dma source(%arg11 : memref<128x128xf32, #tpu.memory_space<vmem>>) target(%dma_start3A_81 : memref<128x128xf32, #tpu.memory_space<vmem_shared>>) target_semaphore(%run_scoped3A : memref<!tpu.dma_semaphore, #tpu.memory_space<semaphore_mem>>)
        %dma_wait3A_82 = arith.constant 2304 : i32
        %dma_wait3A_83 = arith.constant 0 : i32
        %dma_wait3A_84 = tpu.memref_slice %arg12[%dma_wait3A_82, %dma_wait3A_83] : memref<4096x128xf32, #tpu.memory_space<vmem_shared>> -> memref<128x128xf32, #tpu.memory_space<vmem_shared>>
        %dma_wait3A_85 = arith.constant 2304 : i32
        %dma_wait3A_86 = arith.constant 0 : i32
        %dma_wait3A_87 = tpu.memref_slice %arg12[%dma_wait3A_85, %dma_wait3A_86] : memref<4096x128xf32, #tpu.memory_space<vmem_shared>> -> memref<128x128xf32, #tpu.memory_space<vmem_shared>>
        tpu.wait_dma2 semaphore(%run_scoped3A : memref<!tpu.dma_semaphore, #tpu.memory_space<semaphore_mem>>) src(%arg11 : memref<128x128xf32, #tpu.memory_space<vmem>>) dst(%dma_wait3A_87 : memref<128x128xf32, #tpu.memory_space<vmem_shared>>)
        tpu.yield
      }) : () -> ()
      "tpu.region"() ({
        %run_scoped3A = tpu.sem_alloc : memref<!tpu.dma_semaphore, #tpu.memory_space<semaphore_mem>>
        %dma_start3A_76 = arith.constant 2432 : i32
        %dma_start3A_77 = arith.constant 0 : i32
        %dma_start3A_78 = tpu.memref_slice %arg12[%dma_start3A_76, %dma_start3A_77] : memref<4096x128xf32, #tpu.memory_space<vmem_shared>> -> memref<128x128xf32, #tpu.memory_space<vmem_shared>>
        %dma_start3A_79 = arith.constant 2432 : i32
        %dma_start3A_80 = arith.constant 0 : i32
        %dma_start3A_81 = tpu.memref_slice %arg12[%dma_start3A_79, %dma_start3A_80] : memref<4096x128xf32, #tpu.memory_space<vmem_shared>> -> memref<128x128xf32, #tpu.memory_space<vmem_shared>>
        tpu.enqueue_dma source(%arg11 : memref<128x128xf32, #tpu.memory_space<vmem>>) target(%dma_start3A_81 : memref<128x128xf32, #tpu.memory_space<vmem_shared>>) target_semaphore(%run_scoped3A : memref<!tpu.dma_semaphore, #tpu.memory_space<semaphore_mem>>)
        %dma_wait3A_82 = arith.constant 2432 : i32
        %dma_wait3A_83 = arith.constant 0 : i32
        %dma_wait3A_84 = tpu.memref_slice %arg12[%dma_wait3A_82, %dma_wait3A_83] : memref<4096x128xf32, #tpu.memory_space<vmem_shared>> -> memref<128x128xf32, #tpu.memory_space<vmem_shared>>
        %dma_wait3A_85 = arith.constant 2432 : i32
        %dma_wait3A_86 = arith.constant 0 : i32
        %dma_wait3A_87 = tpu.memref_slice %arg12[%dma_wait3A_85, %dma_wait3A_86] : memref<4096x128xf32, #tpu.memory_space<vmem_shared>> -> memref<128x128xf32, #tpu.memory_space<vmem_shared>>
        tpu.wait_dma2 semaphore(%run_scoped3A : memref<!tpu.dma_semaphore, #tpu.memory_space<semaphore_mem>>) src(%arg11 : memref<128x128xf32, #tpu.memory_space<vmem>>) dst(%dma_wait3A_87 : memref<128x128xf32, #tpu.memory_space<vmem_shared>>)
        tpu.yield
      }) : () -> ()
      "tpu.region"() ({
        %run_scoped3A = tpu.sem_alloc : memref<!tpu.dma_semaphore, #tpu.memory_space<semaphore_mem>>
        %dma_start3A_76 = arith.constant 2560 : i32
        %dma_start3A_77 = arith.constant 0 : i32
        %dma_start3A_78 = tpu.memref_slice %arg12[%dma_start3A_76, %dma_start3A_77] : memref<4096x128xf32, #tpu.memory_space<vmem_shared>> -> memref<128x128xf32, #tpu.memory_space<vmem_shared>>
        %dma_start3A_79 = arith.constant 2560 : i32
        %dma_start3A_80 = arith.constant 0 : i32
        %dma_start3A_81 = tpu.memref_slice %arg12[%dma_start3A_79, %dma_start3A_80] : memref<4096x128xf32, #tpu.memory_space<vmem_shared>> -> memref<128x128xf32, #tpu.memory_space<vmem_shared>>
        tpu.enqueue_dma source(%arg11 : memref<128x128xf32, #tpu.memory_space<vmem>>) target(%dma_start3A_81 : memref<128x128xf32, #tpu.memory_space<vmem_shared>>) target_semaphore(%run_scoped3A : memref<!tpu.dma_semaphore, #tpu.memory_space<semaphore_mem>>)
        %dma_wait3A_82 = arith.constant 2560 : i32
        %dma_wait3A_83 = arith.constant 0 : i32
        %dma_wait3A_84 = tpu.memref_slice %arg12[%dma_wait3A_82, %dma_wait3A_83] : memref<4096x128xf32, #tpu.memory_space<vmem_shared>> -> memref<128x128xf32, #tpu.memory_space<vmem_shared>>
        %dma_wait3A_85 = arith.constant 2560 : i32
        %dma_wait3A_86 = arith.constant 0 : i32
        %dma_wait3A_87 = tpu.memref_slice %arg12[%dma_wait3A_85, %dma_wait3A_86] : memref<4096x128xf32, #tpu.memory_space<vmem_shared>> -> memref<128x128xf32, #tpu.memory_space<vmem_shared>>
        tpu.wait_dma2 semaphore(%run_scoped3A : memref<!tpu.dma_semaphore, #tpu.memory_space<semaphore_mem>>) src(%arg11 : memref<128x128xf32, #tpu.memory_space<vmem>>) dst(%dma_wait3A_87 : memref<128x128xf32, #tpu.memory_space<vmem_shared>>)
        tpu.yield
      }) : () -> ()
      "tpu.region"() ({
        %run_scoped3A = tpu.sem_alloc : memref<!tpu.dma_semaphore, #tpu.memory_space<semaphore_mem>>
        %dma_start3A_76 = arith.constant 2688 : i32
        %dma_start3A_77 = arith.constant 0 : i32
        %dma_start3A_78 = tpu.memref_slice %arg12[%dma_start3A_76, %dma_start3A_77] : memref<4096x128xf32, #tpu.memory_space<vmem_shared>> -> memref<128x128xf32, #tpu.memory_space<vmem_shared>>
        %dma_start3A_79 = arith.constant 2688 : i32
        %dma_start3A_80 = arith.constant 0 : i32
        %dma_start3A_81 = tpu.memref_slice %arg12[%dma_start3A_79, %dma_start3A_80] : memref<4096x128xf32, #tpu.memory_space<vmem_shared>> -> memref<128x128xf32, #tpu.memory_space<vmem_shared>>
        tpu.enqueue_dma source(%arg11 : memref<128x128xf32, #tpu.memory_space<vmem>>) target(%dma_start3A_81 : memref<128x128xf32, #tpu.memory_space<vmem_shared>>) target_semaphore(%run_scoped3A : memref<!tpu.dma_semaphore, #tpu.memory_space<semaphore_mem>>)
        %dma_wait3A_82 = arith.constant 2688 : i32
        %dma_wait3A_83 = arith.constant 0 : i32
        %dma_wait3A_84 = tpu.memref_slice %arg12[%dma_wait3A_82, %dma_wait3A_83] : memref<4096x128xf32, #tpu.memory_space<vmem_shared>> -> memref<128x128xf32, #tpu.memory_space<vmem_shared>>
        %dma_wait3A_85 = arith.constant 2688 : i32
        %dma_wait3A_86 = arith.constant 0 : i32
        %dma_wait3A_87 = tpu.memref_slice %arg12[%dma_wait3A_85, %dma_wait3A_86] : memref<4096x128xf32, #tpu.memory_space<vmem_shared>> -> memref<128x128xf32, #tpu.memory_space<vmem_shared>>
        tpu.wait_dma2 semaphore(%run_scoped3A : memref<!tpu.dma_semaphore, #tpu.memory_space<semaphore_mem>>) src(%arg11 : memref<128x128xf32, #tpu.memory_space<vmem>>) dst(%dma_wait3A_87 : memref<128x128xf32, #tpu.memory_space<vmem_shared>>)
        tpu.yield
      }) : () -> ()
      "tpu.region"() ({
        %run_scoped3A = tpu.sem_alloc : memref<!tpu.dma_semaphore, #tpu.memory_space<semaphore_mem>>
        %dma_start3A_76 = arith.constant 2816 : i32
        %dma_start3A_77 = arith.constant 0 : i32
        %dma_start3A_78 = tpu.memref_slice %arg12[%dma_start3A_76, %dma_start3A_77] : memref<4096x128xf32, #tpu.memory_space<vmem_shared>> -> memref<128x128xf32, #tpu.memory_space<vmem_shared>>
        %dma_start3A_79 = arith.constant 2816 : i32
        %dma_start3A_80 = arith.constant 0 : i32
        %dma_start3A_81 = tpu.memref_slice %arg12[%dma_start3A_79, %dma_start3A_80] : memref<4096x128xf32, #tpu.memory_space<vmem_shared>> -> memref<128x128xf32, #tpu.memory_space<vmem_shared>>
        tpu.enqueue_dma source(%arg11 : memref<128x128xf32, #tpu.memory_space<vmem>>) target(%dma_start3A_81 : memref<128x128xf32, #tpu.memory_space<vmem_shared>>) target_semaphore(%run_scoped3A : memref<!tpu.dma_semaphore, #tpu.memory_space<semaphore_mem>>)
        %dma_wait3A_82 = arith.constant 2816 : i32
        %dma_wait3A_83 = arith.constant 0 : i32
        %dma_wait3A_84 = tpu.memref_slice %arg12[%dma_wait3A_82, %dma_wait3A_83] : memref<4096x128xf32, #tpu.memory_space<vmem_shared>> -> memref<128x128xf32, #tpu.memory_space<vmem_shared>>
        %dma_wait3A_85 = arith.constant 2816 : i32
        %dma_wait3A_86 = arith.constant 0 : i32
        %dma_wait3A_87 = tpu.memref_slice %arg12[%dma_wait3A_85, %dma_wait3A_86] : memref<4096x128xf32, #tpu.memory_space<vmem_shared>> -> memref<128x128xf32, #tpu.memory_space<vmem_shared>>
        tpu.wait_dma2 semaphore(%run_scoped3A : memref<!tpu.dma_semaphore, #tpu.memory_space<semaphore_mem>>) src(%arg11 : memref<128x128xf32, #tpu.memory_space<vmem>>) dst(%dma_wait3A_87 : memref<128x128xf32, #tpu.memory_space<vmem_shared>>)
        tpu.yield
      }) : () -> ()
      "tpu.region"() ({
        %run_scoped3A = tpu.sem_alloc : memref<!tpu.dma_semaphore, #tpu.memory_space<semaphore_mem>>
        %dma_start3A_76 = arith.constant 2944 : i32
        %dma_start3A_77 = arith.constant 0 : i32
        %dma_start3A_78 = tpu.memref_slice %arg12[%dma_start3A_76, %dma_start3A_77] : memref<4096x128xf32, #tpu.memory_space<vmem_shared>> -> memref<128x128xf32, #tpu.memory_space<vmem_shared>>
        %dma_start3A_79 = arith.constant 2944 : i32
        %dma_start3A_80 = arith.constant 0 : i32
        %dma_start3A_81 = tpu.memref_slice %arg12[%dma_start3A_79, %dma_start3A_80] : memref<4096x128xf32, #tpu.memory_space<vmem_shared>> -> memref<128x128xf32, #tpu.memory_space<vmem_shared>>
        tpu.enqueue_dma source(%arg11 : memref<128x128xf32, #tpu.memory_space<vmem>>) target(%dma_start3A_81 : memref<128x128xf32, #tpu.memory_space<vmem_shared>>) target_semaphore(%run_scoped3A : memref<!tpu.dma_semaphore, #tpu.memory_space<semaphore_mem>>)
        %dma_wait3A_82 = arith.constant 2944 : i32
        %dma_wait3A_83 = arith.constant 0 : i32
        %dma_wait3A_84 = tpu.memref_slice %arg12[%dma_wait3A_82, %dma_wait3A_83] : memref<4096x128xf32, #tpu.memory_space<vmem_shared>> -> memref<128x128xf32, #tpu.memory_space<vmem_shared>>
        %dma_wait3A_85 = arith.constant 2944 : i32
        %dma_wait3A_86 = arith.constant 0 : i32
        %dma_wait3A_87 = tpu.memref_slice %arg12[%dma_wait3A_85, %dma_wait3A_86] : memref<4096x128xf32, #tpu.memory_space<vmem_shared>> -> memref<128x128xf32, #tpu.memory_space<vmem_shared>>
        tpu.wait_dma2 semaphore(%run_scoped3A : memref<!tpu.dma_semaphore, #tpu.memory_space<semaphore_mem>>) src(%arg11 : memref<128x128xf32, #tpu.memory_space<vmem>>) dst(%dma_wait3A_87 : memref<128x128xf32, #tpu.memory_space<vmem_shared>>)
        tpu.yield
      }) : () -> ()
      "tpu.region"() ({
        %run_scoped3A = tpu.sem_alloc : memref<!tpu.dma_semaphore, #tpu.memory_space<semaphore_mem>>
        %dma_start3A_76 = arith.constant 3072 : i32
        %dma_start3A_77 = arith.constant 0 : i32
        %dma_start3A_78 = tpu.memref_slice %arg12[%dma_start3A_76, %dma_start3A_77] : memref<4096x128xf32, #tpu.memory_space<vmem_shared>> -> memref<128x128xf32, #tpu.memory_space<vmem_shared>>
        %dma_start3A_79 = arith.constant 3072 : i32
        %dma_start3A_80 = arith.constant 0 : i32
        %dma_start3A_81 = tpu.memref_slice %arg12[%dma_start3A_79, %dma_start3A_80] : memref<4096x128xf32, #tpu.memory_space<vmem_shared>> -> memref<128x128xf32, #tpu.memory_space<vmem_shared>>
        tpu.enqueue_dma source(%arg11 : memref<128x128xf32, #tpu.memory_space<vmem>>) target(%dma_start3A_81 : memref<128x128xf32, #tpu.memory_space<vmem_shared>>) target_semaphore(%run_scoped3A : memref<!tpu.dma_semaphore, #tpu.memory_space<semaphore_mem>>)
        %dma_wait3A_82 = arith.constant 3072 : i32
        %dma_wait3A_83 = arith.constant 0 : i32
        %dma_wait3A_84 = tpu.memref_slice %arg12[%dma_wait3A_82, %dma_wait3A_83] : memref<4096x128xf32, #tpu.memory_space<vmem_shared>> -> memref<128x128xf32, #tpu.memory_space<vmem_shared>>
        %dma_wait3A_85 = arith.constant 3072 : i32
        %dma_wait3A_86 = arith.constant 0 : i32
        %dma_wait3A_87 = tpu.memref_slice %arg12[%dma_wait3A_85, %dma_wait3A_86] : memref<4096x128xf32, #tpu.memory_space<vmem_shared>> -> memref<128x128xf32, #tpu.memory_space<vmem_shared>>
        tpu.wait_dma2 semaphore(%run_scoped3A : memref<!tpu.dma_semaphore, #tpu.memory_space<semaphore_mem>>) src(%arg11 : memref<128x128xf32, #tpu.memory_space<vmem>>) dst(%dma_wait3A_87 : memref<128x128xf32, #tpu.memory_space<vmem_shared>>)
        tpu.yield
      }) : () -> ()
      "tpu.region"() ({
        %run_scoped3A = tpu.sem_alloc : memref<!tpu.dma_semaphore, #tpu.memory_space<semaphore_mem>>
        %dma_start3A_76 = arith.constant 3200 : i32
        %dma_start3A_77 = arith.constant 0 : i32
        %dma_start3A_78 = tpu.memref_slice %arg12[%dma_start3A_76, %dma_start3A_77] : memref<4096x128xf32, #tpu.memory_space<vmem_shared>> -> memref<128x128xf32, #tpu.memory_space<vmem_shared>>
        %dma_start3A_79 = arith.constant 3200 : i32
        %dma_start3A_80 = arith.constant 0 : i32
        %dma_start3A_81 = tpu.memref_slice %arg12[%dma_start3A_79, %dma_start3A_80] : memref<4096x128xf32, #tpu.memory_space<vmem_shared>> -> memref<128x128xf32, #tpu.memory_space<vmem_shared>>
        tpu.enqueue_dma source(%arg11 : memref<128x128xf32, #tpu.memory_space<vmem>>) target(%dma_start3A_81 : memref<128x128xf32, #tpu.memory_space<vmem_shared>>) target_semaphore(%run_scoped3A : memref<!tpu.dma_semaphore, #tpu.memory_space<semaphore_mem>>)
        %dma_wait3A_82 = arith.constant 3200 : i32
        %dma_wait3A_83 = arith.constant 0 : i32
        %dma_wait3A_84 = tpu.memref_slice %arg12[%dma_wait3A_82, %dma_wait3A_83] : memref<4096x128xf32, #tpu.memory_space<vmem_shared>> -> memref<128x128xf32, #tpu.memory_space<vmem_shared>>
        %dma_wait3A_85 = arith.constant 3200 : i32
        %dma_wait3A_86 = arith.constant 0 : i32
        %dma_wait3A_87 = tpu.memref_slice %arg12[%dma_wait3A_85, %dma_wait3A_86] : memref<4096x128xf32, #tpu.memory_space<vmem_shared>> -> memref<128x128xf32, #tpu.memory_space<vmem_shared>>
        tpu.wait_dma2 semaphore(%run_scoped3A : memref<!tpu.dma_semaphore, #tpu.memory_space<semaphore_mem>>) src(%arg11 : memref<128x128xf32, #tpu.memory_space<vmem>>) dst(%dma_wait3A_87 : memref<128x128xf32, #tpu.memory_space<vmem_shared>>)
        tpu.yield
      }) : () -> ()
      "tpu.region"() ({
        %run_scoped3A = tpu.sem_alloc : memref<!tpu.dma_semaphore, #tpu.memory_space<semaphore_mem>>
        %dma_start3A_76 = arith.constant 3328 : i32
        %dma_start3A_77 = arith.constant 0 : i32
        %dma_start3A_78 = tpu.memref_slice %arg12[%dma_start3A_76, %dma_start3A_77] : memref<4096x128xf32, #tpu.memory_space<vmem_shared>> -> memref<128x128xf32, #tpu.memory_space<vmem_shared>>
        %dma_start3A_79 = arith.constant 3328 : i32
        %dma_start3A_80 = arith.constant 0 : i32
        %dma_start3A_81 = tpu.memref_slice %arg12[%dma_start3A_79, %dma_start3A_80] : memref<4096x128xf32, #tpu.memory_space<vmem_shared>> -> memref<128x128xf32, #tpu.memory_space<vmem_shared>>
        tpu.enqueue_dma source(%arg11 : memref<128x128xf32, #tpu.memory_space<vmem>>) target(%dma_start3A_81 : memref<128x128xf32, #tpu.memory_space<vmem_shared>>) target_semaphore(%run_scoped3A : memref<!tpu.dma_semaphore, #tpu.memory_space<semaphore_mem>>)
        %dma_wait3A_82 = arith.constant 3328 : i32
        %dma_wait3A_83 = arith.constant 0 : i32
        %dma_wait3A_84 = tpu.memref_slice %arg12[%dma_wait3A_82, %dma_wait3A_83] : memref<4096x128xf32, #tpu.memory_space<vmem_shared>> -> memref<128x128xf32, #tpu.memory_space<vmem_shared>>
        %dma_wait3A_85 = arith.constant 3328 : i32
        %dma_wait3A_86 = arith.constant 0 : i32
        %dma_wait3A_87 = tpu.memref_slice %arg12[%dma_wait3A_85, %dma_wait3A_86] : memref<4096x128xf32, #tpu.memory_space<vmem_shared>> -> memref<128x128xf32, #tpu.memory_space<vmem_shared>>
        tpu.wait_dma2 semaphore(%run_scoped3A : memref<!tpu.dma_semaphore, #tpu.memory_space<semaphore_mem>>) src(%arg11 : memref<128x128xf32, #tpu.memory_space<vmem>>) dst(%dma_wait3A_87 : memref<128x128xf32, #tpu.memory_space<vmem_shared>>)
        tpu.yield
      }) : () -> ()
      "tpu.region"() ({
        %run_scoped3A = tpu.sem_alloc : memref<!tpu.dma_semaphore, #tpu.memory_space<semaphore_mem>>
        %dma_start3A_76 = arith.constant 3456 : i32
        %dma_start3A_77 = arith.constant 0 : i32
        %dma_start3A_78 = tpu.memref_slice %arg12[%dma_start3A_76, %dma_start3A_77] : memref<4096x128xf32, #tpu.memory_space<vmem_shared>> -> memref<128x128xf32, #tpu.memory_space<vmem_shared>>
        %dma_start3A_79 = arith.constant 3456 : i32
        %dma_start3A_80 = arith.constant 0 : i32
        %dma_start3A_81 = tpu.memref_slice %arg12[%dma_start3A_79, %dma_start3A_80] : memref<4096x128xf32, #tpu.memory_space<vmem_shared>> -> memref<128x128xf32, #tpu.memory_space<vmem_shared>>
        tpu.enqueue_dma source(%arg11 : memref<128x128xf32, #tpu.memory_space<vmem>>) target(%dma_start3A_81 : memref<128x128xf32, #tpu.memory_space<vmem_shared>>) target_semaphore(%run_scoped3A : memref<!tpu.dma_semaphore, #tpu.memory_space<semaphore_mem>>)
        %dma_wait3A_82 = arith.constant 3456 : i32
        %dma_wait3A_83 = arith.constant 0 : i32
        %dma_wait3A_84 = tpu.memref_slice %arg12[%dma_wait3A_82, %dma_wait3A_83] : memref<4096x128xf32, #tpu.memory_space<vmem_shared>> -> memref<128x128xf32, #tpu.memory_space<vmem_shared>>
        %dma_wait3A_85 = arith.constant 3456 : i32
        %dma_wait3A_86 = arith.constant 0 : i32
        %dma_wait3A_87 = tpu.memref_slice %arg12[%dma_wait3A_85, %dma_wait3A_86] : memref<4096x128xf32, #tpu.memory_space<vmem_shared>> -> memref<128x128xf32, #tpu.memory_space<vmem_shared>>
        tpu.wait_dma2 semaphore(%run_scoped3A : memref<!tpu.dma_semaphore, #tpu.memory_space<semaphore_mem>>) src(%arg11 : memref<128x128xf32, #tpu.memory_space<vmem>>) dst(%dma_wait3A_87 : memref<128x128xf32, #tpu.memory_space<vmem_shared>>)
        tpu.yield
      }) : () -> ()
      "tpu.region"() ({
        %run_scoped3A = tpu.sem_alloc : memref<!tpu.dma_semaphore, #tpu.memory_space<semaphore_mem>>
        %dma_start3A_76 = arith.constant 3584 : i32
        %dma_start3A_77 = arith.constant 0 : i32
        %dma_start3A_78 = tpu.memref_slice %arg12[%dma_start3A_76, %dma_start3A_77] : memref<4096x128xf32, #tpu.memory_space<vmem_shared>> -> memref<128x128xf32, #tpu.memory_space<vmem_shared>>
        %dma_start3A_79 = arith.constant 3584 : i32
        %dma_start3A_80 = arith.constant 0 : i32
        %dma_start3A_81 = tpu.memref_slice %arg12[%dma_start3A_79, %dma_start3A_80] : memref<4096x128xf32, #tpu.memory_space<vmem_shared>> -> memref<128x128xf32, #tpu.memory_space<vmem_shared>>
        tpu.enqueue_dma source(%arg11 : memref<128x128xf32, #tpu.memory_space<vmem>>) target(%dma_start3A_81 : memref<128x128xf32, #tpu.memory_space<vmem_shared>>) target_semaphore(%run_scoped3A : memref<!tpu.dma_semaphore, #tpu.memory_space<semaphore_mem>>)
        %dma_wait3A_82 = arith.constant 3584 : i32
        %dma_wait3A_83 = arith.constant 0 : i32
        %dma_wait3A_84 = tpu.memref_slice %arg12[%dma_wait3A_82, %dma_wait3A_83] : memref<4096x128xf32, #tpu.memory_space<vmem_shared>> -> memref<128x128xf32, #tpu.memory_space<vmem_shared>>
        %dma_wait3A_85 = arith.constant 3584 : i32
        %dma_wait3A_86 = arith.constant 0 : i32
        %dma_wait3A_87 = tpu.memref_slice %arg12[%dma_wait3A_85, %dma_wait3A_86] : memref<4096x128xf32, #tpu.memory_space<vmem_shared>> -> memref<128x128xf32, #tpu.memory_space<vmem_shared>>
        tpu.wait_dma2 semaphore(%run_scoped3A : memref<!tpu.dma_semaphore, #tpu.memory_space<semaphore_mem>>) src(%arg11 : memref<128x128xf32, #tpu.memory_space<vmem>>) dst(%dma_wait3A_87 : memref<128x128xf32, #tpu.memory_space<vmem_shared>>)
        tpu.yield
      }) : () -> ()
      "tpu.region"() ({
        %run_scoped3A = tpu.sem_alloc : memref<!tpu.dma_semaphore, #tpu.memory_space<semaphore_mem>>
        %dma_start3A_76 = arith.constant 3712 : i32
        %dma_start3A_77 = arith.constant 0 : i32
        %dma_start3A_78 = tpu.memref_slice %arg12[%dma_start3A_76, %dma_start3A_77] : memref<4096x128xf32, #tpu.memory_space<vmem_shared>> -> memref<128x128xf32, #tpu.memory_space<vmem_shared>>
        %dma_start3A_79 = arith.constant 3712 : i32
        %dma_start3A_80 = arith.constant 0 : i32
        %dma_start3A_81 = tpu.memref_slice %arg12[%dma_start3A_79, %dma_start3A_80] : memref<4096x128xf32, #tpu.memory_space<vmem_shared>> -> memref<128x128xf32, #tpu.memory_space<vmem_shared>>
        tpu.enqueue_dma source(%arg11 : memref<128x128xf32, #tpu.memory_space<vmem>>) target(%dma_start3A_81 : memref<128x128xf32, #tpu.memory_space<vmem_shared>>) target_semaphore(%run_scoped3A : memref<!tpu.dma_semaphore, #tpu.memory_space<semaphore_mem>>)
        %dma_wait3A_82 = arith.constant 3712 : i32
        %dma_wait3A_83 = arith.constant 0 : i32
        %dma_wait3A_84 = tpu.memref_slice %arg12[%dma_wait3A_82, %dma_wait3A_83] : memref<4096x128xf32, #tpu.memory_space<vmem_shared>> -> memref<128x128xf32, #tpu.memory_space<vmem_shared>>
        %dma_wait3A_85 = arith.constant 3712 : i32
        %dma_wait3A_86 = arith.constant 0 : i32
        %dma_wait3A_87 = tpu.memref_slice %arg12[%dma_wait3A_85, %dma_wait3A_86] : memref<4096x128xf32, #tpu.memory_space<vmem_shared>> -> memref<128x128xf32, #tpu.memory_space<vmem_shared>>
        tpu.wait_dma2 semaphore(%run_scoped3A : memref<!tpu.dma_semaphore, #tpu.memory_space<semaphore_mem>>) src(%arg11 : memref<128x128xf32, #tpu.memory_space<vmem>>) dst(%dma_wait3A_87 : memref<128x128xf32, #tpu.memory_space<vmem_shared>>)
        tpu.yield
      }) : () -> ()
      "tpu.region"() ({
        %run_scoped3A = tpu.sem_alloc : memref<!tpu.dma_semaphore, #tpu.memory_space<semaphore_mem>>
        %dma_start3A_76 = arith.constant 3840 : i32
        %dma_start3A_77 = arith.constant 0 : i32
        %dma_start3A_78 = tpu.memref_slice %arg12[%dma_start3A_76, %dma_start3A_77] : memref<4096x128xf32, #tpu.memory_space<vmem_shared>> -> memref<128x128xf32, #tpu.memory_space<vmem_shared>>
        %dma_start3A_79 = arith.constant 3840 : i32
        %dma_start3A_80 = arith.constant 0 : i32
        %dma_start3A_81 = tpu.memref_slice %arg12[%dma_start3A_79, %dma_start3A_80] : memref<4096x128xf32, #tpu.memory_space<vmem_shared>> -> memref<128x128xf32, #tpu.memory_space<vmem_shared>>
        tpu.enqueue_dma source(%arg11 : memref<128x128xf32, #tpu.memory_space<vmem>>) target(%dma_start3A_81 : memref<128x128xf32, #tpu.memory_space<vmem_shared>>) target_semaphore(%run_scoped3A : memref<!tpu.dma_semaphore, #tpu.memory_space<semaphore_mem>>)
        %dma_wait3A_82 = arith.constant 3840 : i32
        %dma_wait3A_83 = arith.constant 0 : i32
        %dma_wait3A_84 = tpu.memref_slice %arg12[%dma_wait3A_82, %dma_wait3A_83] : memref<4096x128xf32, #tpu.memory_space<vmem_shared>> -> memref<128x128xf32, #tpu.memory_space<vmem_shared>>
        %dma_wait3A_85 = arith.constant 3840 : i32
        %dma_wait3A_86 = arith.constant 0 : i32
        %dma_wait3A_87 = tpu.memref_slice %arg12[%dma_wait3A_85, %dma_wait3A_86] : memref<4096x128xf32, #tpu.memory_space<vmem_shared>> -> memref<128x128xf32, #tpu.memory_space<vmem_shared>>
        tpu.wait_dma2 semaphore(%run_scoped3A : memref<!tpu.dma_semaphore, #tpu.memory_space<semaphore_mem>>) src(%arg11 : memref<128x128xf32, #tpu.memory_space<vmem>>) dst(%dma_wait3A_87 : memref<128x128xf32, #tpu.memory_space<vmem_shared>>)
        tpu.yield
      }) : () -> ()
      "tpu.region"() ({
        %run_scoped3A = tpu.sem_alloc : memref<!tpu.dma_semaphore, #tpu.memory_space<semaphore_mem>>
        %dma_start3A_76 = arith.constant 3968 : i32
        %dma_start3A_77 = arith.constant 0 : i32
        %dma_start3A_78 = tpu.memref_slice %arg12[%dma_start3A_76, %dma_start3A_77] : memref<4096x128xf32, #tpu.memory_space<vmem_shared>> -> memref<128x128xf32, #tpu.memory_space<vmem_shared>>
        %dma_start3A_79 = arith.constant 3968 : i32
        %dma_start3A_80 = arith.constant 0 : i32
        %dma_start3A_81 = tpu.memref_slice %arg12[%dma_start3A_79, %dma_start3A_80] : memref<4096x128xf32, #tpu.memory_space<vmem_shared>> -> memref<128x128xf32, #tpu.memory_space<vmem_shared>>
        tpu.enqueue_dma source(%arg11 : memref<128x128xf32, #tpu.memory_space<vmem>>) target(%dma_start3A_81 : memref<128x128xf32, #tpu.memory_space<vmem_shared>>) target_semaphore(%run_scoped3A : memref<!tpu.dma_semaphore, #tpu.memory_space<semaphore_mem>>)
        %dma_wait3A_82 = arith.constant 3968 : i32
        %dma_wait3A_83 = arith.constant 0 : i32
        %dma_wait3A_84 = tpu.memref_slice %arg12[%dma_wait3A_82, %dma_wait3A_83] : memref<4096x128xf32, #tpu.memory_space<vmem_shared>> -> memref<128x128xf32, #tpu.memory_space<vmem_shared>>
        %dma_wait3A_85 = arith.constant 3968 : i32
        %dma_wait3A_86 = arith.constant 0 : i32
        %dma_wait3A_87 = tpu.memref_slice %arg12[%dma_wait3A_85, %dma_wait3A_86] : memref<4096x128xf32, #tpu.memory_space<vmem_shared>> -> memref<128x128xf32, #tpu.memory_space<vmem_shared>>
        tpu.wait_dma2 semaphore(%run_scoped3A : memref<!tpu.dma_semaphore, #tpu.memory_space<semaphore_mem>>) src(%arg11 : memref<128x128xf32, #tpu.memory_space<vmem>>) dst(%dma_wait3A_87 : memref<128x128xf32, #tpu.memory_space<vmem_shared>>)
        tpu.yield
      }) : () -> ()
    } else {
    }
    %scan3A_64 = arith.constant 1.000000e+00 : f32
    %scan3A_65 = arith.constant 0 : i32
    %scan3A_66 = arith.constant 128 : i32
    %scan3A_67 = arith.addi %scan3A_65, %scan3A_66 : i32
    %scan3A_68 = arith.constant 1 : i32
    scf.for %scan3A_76 = %scan3A_65 to %scan3A_67 step %scan3A_68  : i32 {
      %broadcast_in_dim3A = vector.broadcast %scan3A_64 : f32 to vector<16xf32>
      %swap3A = arith.index_cast %scan3A_76 : i32 to index
      %swap3A_77 = arith.constant 0 : index
      %swap3A_78 = tpu.vector_load %arg11[%swap3A, %swap3A_77] {strides = array<i32>} : memref<128x128xf32, #tpu.memory_space<vmem>>, vector<1x16xf32>,
      %swap3A_79 = vector.shape_cast %swap3A_78 : vector<1x16xf32> to vector<16xf32>
      %swap3A_80 = vector.shape_cast %broadcast_in_dim3A : vector<16xf32> to vector<1x16xf32>
      tpu.vector_store %arg11[%swap3A, %swap3A_77], %swap3A_80 {strides = array<i32>} : memref<128x128xf32, #tpu.memory_space<vmem>>, vector<1x16xf32>,
      %broadcast_in_dim3A_81 = vector.broadcast %scan3A_64 : f32 to vector<16xf32>
      %swap3A_82 = arith.index_cast %scan3A_76 : i32 to index
      %swap3A_83 = arith.constant 16 : index
      %swap3A_84 = tpu.vector_load %arg11[%swap3A_82, %swap3A_83] {strides = array<i32>} : memref<128x128xf32, #tpu.memory_space<vmem>>, vector<1x16xf32>,
      %swap3A_85 = vector.shape_cast %swap3A_84 : vector<1x16xf32> to vector<16xf32>
      %swap3A_86 = vector.shape_cast %broadcast_in_dim3A_81 : vector<16xf32> to vector<1x16xf32>
      tpu.vector_store %arg11[%swap3A_82, %swap3A_83], %swap3A_86 {strides = array<i32>} : memref<128x128xf32, #tpu.memory_space<vmem>>, vector<1x16xf32>,
      %broadcast_in_dim3A_87 = vector.broadcast %scan3A_64 : f32 to vector<16xf32>
      %swap3A_88 = arith.index_cast %scan3A_76 : i32 to index
      %swap3A_89 = arith.constant 32 : index
      %swap3A_90 = tpu.vector_load %arg11[%swap3A_88, %swap3A_89] {strides = array<i32>} : memref<128x128xf32, #tpu.memory_space<vmem>>, vector<1x16xf32>,
      %swap3A_91 = vector.shape_cast %swap3A_90 : vector<1x16xf32> to vector<16xf32>
      %swap3A_92 = vector.shape_cast %broadcast_in_dim3A_87 : vector<16xf32> to vector<1x16xf32>
      tpu.vector_store %arg11[%swap3A_88, %swap3A_89], %swap3A_92 {strides = array<i32>} : memref<128x128xf32, #tpu.memory_space<vmem>>, vector<1x16xf32>,
      %broadcast_in_dim3A_93 = vector.broadcast %scan3A_64 : f32 to vector<16xf32>
      %swap3A_94 = arith.index_cast %scan3A_76 : i32 to index
      %swap3A_95 = arith.constant 48 : index
      %swap3A_96 = tpu.vector_load %arg11[%swap3A_94, %swap3A_95] {strides = array<i32>} : memref<128x128xf32, #tpu.memory_space<vmem>>, vector<1x16xf32>,
      %swap3A_97 = vector.shape_cast %swap3A_96 : vector<1x16xf32> to vector<16xf32>
      %swap3A_98 = vector.shape_cast %broadcast_in_dim3A_93 : vector<16xf32> to vector<1x16xf32>
      tpu.vector_store %arg11[%swap3A_94, %swap3A_95], %swap3A_98 {strides = array<i32>} : memref<128x128xf32, #tpu.memory_space<vmem>>, vector<1x16xf32>,
      %broadcast_in_dim3A_99 = vector.broadcast %scan3A_64 : f32 to vector<16xf32>
      %swap3A_100 = arith.index_cast %scan3A_76 : i32 to index
      %swap3A_101 = arith.constant 64 : index
      %swap3A_102 = tpu.vector_load %arg11[%swap3A_100, %swap3A_101] {strides = array<i32>} : memref<128x128xf32, #tpu.memory_space<vmem>>, vector<1x16xf32>,
      %swap3A_103 = vector.shape_cast %swap3A_102 : vector<1x16xf32> to vector<16xf32>
      %swap3A_104 = vector.shape_cast %broadcast_in_dim3A_99 : vector<16xf32> to vector<1x16xf32>
      tpu.vector_store %arg11[%swap3A_100, %swap3A_101], %swap3A_104 {strides = array<i32>} : memref<128x128xf32, #tpu.memory_space<vmem>>, vector<1x16xf32>,
      %broadcast_in_dim3A_105 = vector.broadcast %scan3A_64 : f32 to vector<16xf32>
      %swap3A_106 = arith.index_cast %scan3A_76 : i32 to index
      %swap3A_107 = arith.constant 80 : index
      %swap3A_108 = tpu.vector_load %arg11[%swap3A_106, %swap3A_107] {strides = array<i32>} : memref<128x128xf32, #tpu.memory_space<vmem>>, vector<1x16xf32>,
      %swap3A_109 = vector.shape_cast %swap3A_108 : vector<1x16xf32> to vector<16xf32>
      %swap3A_110 = vector.shape_cast %broadcast_in_dim3A_105 : vector<16xf32> to vector<1x16xf32>
      tpu.vector_store %arg11[%swap3A_106, %swap3A_107], %swap3A_110 {strides = array<i32>} : memref<128x128xf32, #tpu.memory_space<vmem>>, vector<1x16xf32>,
      %broadcast_in_dim3A_111 = vector.broadcast %scan3A_64 : f32 to vector<16xf32>
      %swap3A_112 = arith.index_cast %scan3A_76 : i32 to index
      %swap3A_113 = arith.constant 96 : index
      %swap3A_114 = tpu.vector_load %arg11[%swap3A_112, %swap3A_113] {strides = array<i32>} : memref<128x128xf32, #tpu.memory_space<vmem>>, vector<1x16xf32>,
      %swap3A_115 = vector.shape_cast %swap3A_114 : vector<1x16xf32> to vector<16xf32>
      %swap3A_116 = vector.shape_cast %broadcast_in_dim3A_111 : vector<16xf32> to vector<1x16xf32>
      tpu.vector_store %arg11[%swap3A_112, %swap3A_113], %swap3A_116 {strides = array<i32>} : memref<128x128xf32, #tpu.memory_space<vmem>>, vector<1x16xf32>,
      %broadcast_in_dim3A_117 = vector.broadcast %scan3A_64 : f32 to vector<16xf32>
      %swap3A_118 = arith.index_cast %scan3A_76 : i32 to index
      %swap3A_119 = arith.constant 112 : index
      %swap3A_120 = tpu.vector_load %arg11[%swap3A_118, %swap3A_119] {strides = array<i32>} : memref<128x128xf32, #tpu.memory_space<vmem>>, vector<1x16xf32>,
      %swap3A_121 = vector.shape_cast %swap3A_120 : vector<1x16xf32> to vector<16xf32>
      %swap3A_122 = vector.shape_cast %broadcast_in_dim3A_117 : vector<16xf32> to vector<1x16xf32>
      tpu.vector_store %arg11[%swap3A_118, %swap3A_119], %swap3A_122 {strides = array<i32>} : memref<128x128xf32, #tpu.memory_space<vmem>>, vector<1x16xf32>,
    }
    %scan3A_69 = arith.constant 128 : i32
    %barrier3A = arith.constant 0 : index
    tpu.barrier barrier_id(%barrier3A)
    "tpu.region"() ({
      %run_scoped3A = tpu.sem_alloc : memref<!tpu.dma_semaphore, #tpu.memory_space<semaphore_mem>>
      %dma_start3A_76 = arith.constant 0 : i32
      %dma_start3A_77 = arith.constant 0 : i32
      %dma_start3A_78 = tpu.memref_slice %arg12[%dma_start3A_76, %dma_start3A_77] : memref<4096x128xf32, #tpu.memory_space<vmem_shared>> -> memref<4096x128xf32, #tpu.memory_space<vmem_shared>>
      tpu.enqueue_indirect_dma source(%arg11 : memref<128x128xf32, #tpu.memory_space<vmem>>) target(%dma_start3A_78 : memref<4096x128xf32, #tpu.memory_space<vmem_shared>>) offsets(%arg6 : memref<128xi32, #tpu.memory_space<vmem>>) semaphore(%run_scoped3A : memref<!tpu.dma_semaphore, #tpu.memory_space<semaphore_mem>>) {add = true}
      %dma_wait3A_79 = arith.constant 0 : i32
      %dma_wait3A_80 = arith.constant 0 : i32
      %dma_wait3A_81 = tpu.memref_slice %arg12[%dma_wait3A_79, %dma_wait3A_80] : memref<4096x128xf32, #tpu.memory_space<vmem_shared>> -> memref<4096x128xf32, #tpu.memory_space<vmem_shared>>
      tpu.wait_indirect_dma semaphore(%run_scoped3A : memref<!tpu.dma_semaphore, #tpu.memory_space<semaphore_mem>>) src(%arg11 : memref<128x128xf32, #tpu.memory_space<vmem>>) dst(%dma_wait3A_81 : memref<4096x128xf32, #tpu.memory_space<vmem_shared>>)
      tpu.yield
    }) : () -> ()
    "tpu.region"() ({
      %run_scoped3A = tpu.sem_alloc : memref<!tpu.dma_semaphore, #tpu.memory_space<semaphore_mem>>
      %dma_start3A_76 = arith.constant 0 : i32
      %dma_start3A_77 = arith.constant 0 : i32
      %dma_start3A_78 = tpu.memref_slice %arg12[%dma_start3A_76, %dma_start3A_77] : memref<4096x128xf32, #tpu.memory_space<vmem_shared>> -> memref<4096x128xf32, #tpu.memory_space<vmem_shared>>
      tpu.enqueue_indirect_dma source(%arg11 : memref<128x128xf32, #tpu.memory_space<vmem>>) target(%dma_start3A_78 : memref<4096x128xf32, #tpu.memory_space<vmem_shared>>) offsets(%arg7 : memref<128xi32, #tpu.memory_space<vmem>>) semaphore(%run_scoped3A : memref<!tpu.dma_semaphore, #tpu.memory_space<semaphore_mem>>) {add = true}
      %dma_wait3A_79 = arith.constant 0 : i32
      %dma_wait3A_80 = arith.constant 0 : i32
      %dma_wait3A_81 = tpu.memref_slice %arg12[%dma_wait3A_79, %dma_wait3A_80] : memref<4096x128xf32, #tpu.memory_space<vmem_shared>> -> memref<4096x128xf32, #tpu.memory_space<vmem_shared>>
      tpu.wait_indirect_dma semaphore(%run_scoped3A : memref<!tpu.dma_semaphore, #tpu.memory_space<semaphore_mem>>) src(%arg11 : memref<128x128xf32, #tpu.memory_space<vmem>>) dst(%dma_wait3A_81 : memref<4096x128xf32, #tpu.memory_space<vmem_shared>>)
      tpu.yield
    }) : () -> ()
    "tpu.region"() ({
      %run_scoped3A = tpu.sem_alloc : memref<!tpu.dma_semaphore, #tpu.memory_space<semaphore_mem>>
      %dma_start3A_76 = arith.constant 0 : i32
      %dma_start3A_77 = arith.constant 0 : i32
      %dma_start3A_78 = tpu.memref_slice %arg12[%dma_start3A_76, %dma_start3A_77] : memref<4096x128xf32, #tpu.memory_space<vmem_shared>> -> memref<4096x128xf32, #tpu.memory_space<vmem_shared>>
      tpu.enqueue_indirect_dma source(%arg11 : memref<128x128xf32, #tpu.memory_space<vmem>>) target(%dma_start3A_78 : memref<4096x128xf32, #tpu.memory_space<vmem_shared>>) offsets(%arg8 : memref<128xi32, #tpu.memory_space<vmem>>) semaphore(%run_scoped3A : memref<!tpu.dma_semaphore, #tpu.memory_space<semaphore_mem>>) {add = true}
      %dma_wait3A_79 = arith.constant 0 : i32
      %dma_wait3A_80 = arith.constant 0 : i32
      %dma_wait3A_81 = tpu.memref_slice %arg12[%dma_wait3A_79, %dma_wait3A_80] : memref<4096x128xf32, #tpu.memory_space<vmem_shared>> -> memref<4096x128xf32, #tpu.memory_space<vmem_shared>>
      tpu.wait_indirect_dma semaphore(%run_scoped3A : memref<!tpu.dma_semaphore, #tpu.memory_space<semaphore_mem>>) src(%arg11 : memref<128x128xf32, #tpu.memory_space<vmem>>) dst(%dma_wait3A_81 : memref<4096x128xf32, #tpu.memory_space<vmem_shared>>)
      tpu.yield
    }) : () -> ()
    "tpu.region"() ({
      %run_scoped3A = tpu.sem_alloc : memref<!tpu.dma_semaphore, #tpu.memory_space<semaphore_mem>>
      %dma_start3A_76 = arith.constant 0 : i32
      %dma_start3A_77 = arith.constant 0 : i32
      %dma_start3A_78 = tpu.memref_slice %arg12[%dma_start3A_76, %dma_start3A_77] : memref<4096x128xf32, #tpu.memory_space<vmem_shared>> -> memref<4096x128xf32, #tpu.memory_space<vmem_shared>>
      tpu.enqueue_indirect_dma source(%arg11 : memref<128x128xf32, #tpu.memory_space<vmem>>) target(%dma_start3A_78 : memref<4096x128xf32, #tpu.memory_space<vmem_shared>>) offsets(%arg9 : memref<128xi32, #tpu.memory_space<vmem>>) semaphore(%run_scoped3A : memref<!tpu.dma_semaphore, #tpu.memory_space<semaphore_mem>>) {add = true}
      %dma_wait3A_79 = arith.constant 0 : i32
      %dma_wait3A_80 = arith.constant 0 : i32
      %dma_wait3A_81 = tpu.memref_slice %arg12[%dma_wait3A_79, %dma_wait3A_80] : memref<4096x128xf32, #tpu.memory_space<vmem_shared>> -> memref<4096x128xf32, #tpu.memory_space<vmem_shared>>
      tpu.wait_indirect_dma semaphore(%run_scoped3A : memref<!tpu.dma_semaphore, #tpu.memory_space<semaphore_mem>>) src(%arg11 : memref<128x128xf32, #tpu.memory_space<vmem>>) dst(%dma_wait3A_81 : memref<4096x128xf32, #tpu.memory_space<vmem_shared>>)
      tpu.yield
    }) : () -> ()
    %barrier3A_70 = arith.constant 0 : index
    tpu.barrier barrier_id(%barrier3A_70)
    %eq3A_71 = arith.constant 0 : i32
    %eq3A_72 = arith.cmpi eq, %arg1, %eq3A_71 : i32
    %convert_element_type3A_73 = arith.extui %eq3A_72 : i1 to i32
    %cond3A_74 = arith.constant 0 : i32
    %cond3A_75 = arith.cmpi ne, %convert_element_type3A_73, %cond3A_74 : i32
    scf.if %cond3A_75 {
      "tpu.region"() ({
        %run_scoped3A = tpu.sem_alloc : memref<!tpu.dma_semaphore, #tpu.memory_space<semaphore_mem>>
        %dma_start3A_76 = arith.constant 0 : i32
        %dma_start3A_77 = arith.constant 0 : i32
        %dma_start3A_78 = tpu.memref_slice %arg5[%arg0, %dma_start3A_76, %dma_start3A_77] : memref<2x4096x128xf32, #tpu.memory_space<hbm>> -> memref<1x4096x128xf32, #tpu.memory_space<hbm>>
        %dma_start3A_79 = tpu.memref_squeeze %dma_start3A_78 : memref<1x4096x128xf32, #tpu.memory_space<hbm>> -> memref<4096x128xf32, #tpu.memory_space<hbm>>
        tpu.enqueue_dma source(%arg12 : memref<4096x128xf32, #tpu.memory_space<vmem_shared>>) target(%dma_start3A_79 : memref<4096x128xf32, #tpu.memory_space<hbm>>) target_semaphore(%run_scoped3A : memref<!tpu.dma_semaphore, #tpu.memory_space<semaphore_mem>>)
        %dma_wait3A_80 = arith.constant 0 : i32
        %dma_wait3A_81 = arith.constant 0 : i32
        %dma_wait3A_82 = tpu.memref_slice %arg5[%arg0, %dma_wait3A_80, %dma_wait3A_81] : memref<2x4096x128xf32, #tpu.memory_space<hbm>> -> memref<1x4096x128xf32, #tpu.memory_space<hbm>>
        %dma_wait3A_83 = tpu.memref_squeeze %dma_wait3A_82 : memref<1x4096x128xf32, #tpu.memory_space<hbm>> -> memref<4096x128xf32, #tpu.memory_space<hbm>>
        tpu.wait_dma2 semaphore(%run_scoped3A : memref<!tpu.dma_semaphore, #tpu.memory_space<semaphore_mem>>) src(%arg12 : memref<4096x128xf32, #tpu.memory_space<vmem_shared>>) dst(%dma_wait3A_83 : memref<4096x128xf32, #tpu.memory_space<hbm>>)
        tpu.yield
      }) : () -> ()
    } else {
    }
    return
  }
}

module attributes {stable_mosaic.version = 14 : i64} {
  func.func @_enc1_body(%arg0: i32, %arg1: memref<512x256xf32, #tpu.memory_space<vmem>>, %arg2: memref<256x256xf32, #tpu.memory_space<vmem>>, %arg3: memref<1x256xf32, #tpu.memory_space<vmem>>, %arg4: memref<1x256xf32, #tpu.memory_space<vmem>>, %arg5: memref<1x256xf32, #tpu.memory_space<vmem>>, %arg6: memref<512x256xf32, #tpu.memory_space<vmem>>, %arg7: memref<2x256xf32, #tpu.memory_space<vmem>>) attributes {dimension_semantics = [#tpu.dimension_semantics<arbitrary>], iteration_bounds = array<i64: 32>, scalar_prefetch = 0 : i64, scratch_operands = 0 : i64, tpu.core_type = #tpu.core_type<tc>, window_params = [{transform_indices = @transform_0, window_bounds = array<i64: 512, 256>}, {pipeline_mode = #tpu.pipeline_mode<synchronous>, transform_indices = @transform_1, window_bounds = array<i64: 256, 256>}, {pipeline_mode = #tpu.pipeline_mode<synchronous>, transform_indices = @transform_2, window_bounds = array<i64: 1, 256>}, {pipeline_mode = #tpu.pipeline_mode<synchronous>, transform_indices = @transform_3, window_bounds = array<i64: 1, 256>}, {pipeline_mode = #tpu.pipeline_mode<synchronous>, transform_indices = @transform_4, window_bounds = array<i64: 1, 256>}, {transform_indices = @transform_5, window_bounds = array<i64: 512, 256>}, {pipeline_mode = #tpu.pipeline_mode<synchronous>, transform_indices = @transform_6, window_bounds = array<i64: 2, 256>}]} {
    %eq3A = arith.constant 0 : i32
    %eq3A_0 = arith.cmpi eq, %arg0, %eq3A : i32
    %convert_element_type3A = arith.extui %eq3A_0 : i1 to i32
    %cond3A = arith.constant 0 : i32
    %cond3A_1 = arith.cmpi ne, %convert_element_type3A, %cond3A : i32
    scf.if %cond3A_1 {
      %broadcast_in_dim3A_30 = arith.constant 0.000000e+00 : f32
      %broadcast_in_dim3A_31 = vector.broadcast %broadcast_in_dim3A_30 : f32 to vector<2x256xf32>
      %swap3A_32 = arith.constant 0 : index
      %swap3A_33 = arith.constant 0 : index
      %swap3A_34 = vector.load %arg7[%swap3A_32, %swap3A_33] : memref<2x256xf32, #tpu.memory_space<vmem>>, vector<2x256xf32>
      tpu.vector_store %arg7[%swap3A_32, %swap3A_33], %broadcast_in_dim3A_31 {strides = array<i32>} : memref<2x256xf32, #tpu.memory_space<vmem>>, vector<2x256xf32>,
    } else {
    }
    %get3A = arith.constant 0 : index
    %get3A_2 = arith.constant 0 : index
    %get3A_3 = vector.load %arg1[%get3A, %get3A_2] : memref<512x256xf32, #tpu.memory_space<vmem>>, vector<512x256xf32>
    %get3A_4 = arith.constant 0 : index
    %get3A_5 = arith.constant 0 : index
    %get3A_6 = vector.load %arg2[%get3A_4, %get3A_5] : memref<256x256xf32, #tpu.memory_space<vmem>>, vector<256x256xf32>
    %dot_general3A = arith.constant dense<0.000000e+00> : vector<512x256xf32>
    %dot_general3A_7 = tpu.matmul %get3A_3, %get3A_6, %dot_general3A {dimension_numbers = #tpu.dot_dimension_numbers<[1], [0], [0], [1], [0, 0, 1, 1], [], []>, transpose_lhs_hint = false} : vector<512x256xf32>, vector<256x256xf32>, vector<512x256xf32> -> vector<512x256xf32>
    %get3A_8 = arith.constant 0 : index
    %get3A_9 = arith.constant 0 : index
    %get3A_10 = vector.load %arg3[%get3A_8, %get3A_9] : memref<1x256xf32, #tpu.memory_space<vmem>>, vector<1x256xf32>
    %add3A = vector.broadcast %get3A_10 : vector<1x256xf32> to vector<512x256xf32>
    %add3A_11 = arith.addf %dot_general3A_7, %add3A : vector<512x256xf32>
    %swap3A = arith.constant 0 : index
    %swap3A_12 = arith.constant 0 : index
    %swap3A_13 = vector.load %arg6[%swap3A, %swap3A_12] : memref<512x256xf32, #tpu.memory_space<vmem>>, vector<512x256xf32>
    tpu.vector_store %arg6[%swap3A, %swap3A_12], %add3A_11 {strides = array<i32>} : memref<512x256xf32, #tpu.memory_space<vmem>>, vector<512x256xf32>,
    %reduce_sum3A = arith.constant dense<0.000000e+00> : vector<256xf32>
    %reduce_sum3A_14 = vector.multi_reduction <add>, %add3A_11, %reduce_sum3A [0] : vector<512x256xf32> to vector<256xf32>
    %broadcast_in_dim3A = vector.shape_cast %reduce_sum3A_14 : vector<256xf32> to vector<1x256xf32>
    %mul3A = arith.mulf %add3A_11, %add3A_11 : vector<512x256xf32>
    %reduce_sum3A_15 = arith.constant dense<0.000000e+00> : vector<256xf32>
    %reduce_sum3A_16 = vector.multi_reduction <add>, %mul3A, %reduce_sum3A_15 [0] : vector<512x256xf32> to vector<256xf32>
    %broadcast_in_dim3A_17 = vector.shape_cast %reduce_sum3A_16 : vector<256xf32> to vector<1x256xf32>
    %get3A_18 = arith.constant 0 : index
    %get3A_19 = arith.constant 0 : index
    %get3A_20 = vector.load %arg7[%get3A_18, %get3A_19] : memref<2x256xf32, #tpu.memory_space<vmem>>, vector<2x256xf32>
    %concatenate3A = tpu.concatenate %broadcast_in_dim3A, %broadcast_in_dim3A_17 in 0 : vector<1x256xf32>, vector<1x256xf32> -> vector<2x256xf32>
    %add3A_21 = arith.addf %get3A_20, %concatenate3A : vector<2x256xf32>
    %swap3A_22 = arith.constant 0 : index
    %swap3A_23 = arith.constant 0 : index
    %swap3A_24 = vector.load %arg7[%swap3A_22, %swap3A_23] : memref<2x256xf32, #tpu.memory_space<vmem>>, vector<2x256xf32>
    tpu.vector_store %arg7[%swap3A_22, %swap3A_23], %add3A_21 {strides = array<i32>} : memref<2x256xf32, #tpu.memory_space<vmem>>, vector<2x256xf32>,
    %eq3A_25 = arith.constant 31 : i32
    %eq3A_26 = arith.cmpi eq, %arg0, %eq3A_25 : i32
    %convert_element_type3A_27 = arith.extui %eq3A_26 : i1 to i32
    %cond3A_28 = arith.constant 0 : i32
    %cond3A_29 = arith.cmpi ne, %convert_element_type3A_27, %cond3A_28 : i32
    scf.if %cond3A_29 {
      %get3A_30 = arith.constant 0 : index
      %get3A_31 = arith.constant 0 : index
      %get3A_32 = vector.load %arg7[%get3A_30, %get3A_31] : memref<2x256xf32, #tpu.memory_space<vmem>>, vector<2x256xf32>
      %slice3A = vector.extract_strided_slice %get3A_32 {offsets = [0, 0], sizes = [1, 256], strides = [1, 1]} : vector<2x256xf32> to vector<1x256xf32>
      %mul3A_33 = arith.constant 6.10351563E-5 : f32
      %mul3A_34 = vector.broadcast %mul3A_33 : f32 to vector<1x256xf32>
      %mul3A_35 = arith.mulf %slice3A, %mul3A_34 : vector<1x256xf32>
      %slice3A_36 = vector.extract_strided_slice %get3A_32 {offsets = [1, 0], sizes = [1, 256], strides = [1, 1]} : vector<2x256xf32> to vector<1x256xf32>
      %mul3A_37 = arith.constant 6.10351563E-5 : f32
      %mul3A_38 = vector.broadcast %mul3A_37 : f32 to vector<1x256xf32>
      %mul3A_39 = arith.mulf %slice3A_36, %mul3A_38 : vector<1x256xf32>
      %mul3A_40 = arith.mulf %mul3A_35, %mul3A_35 : vector<1x256xf32>
      %sub3A = arith.subf %mul3A_39, %mul3A_40 : vector<1x256xf32>
      %get3A_41 = arith.constant 0 : index
      %get3A_42 = arith.constant 0 : index
      %get3A_43 = vector.load %arg4[%get3A_41, %get3A_42] : memref<1x256xf32, #tpu.memory_space<vmem>>, vector<1x256xf32>
      %add3A_44 = arith.constant 9.99999974E-6 : f32
      %add3A_45 = vector.broadcast %add3A_44 : f32 to vector<1x256xf32>
      %add3A_46 = arith.addf %sub3A, %add3A_45 : vector<1x256xf32>
      %rsqrt3A = math.rsqrt %add3A_46 : vector<1x256xf32>
      %mul3A_47 = arith.mulf %get3A_43, %rsqrt3A : vector<1x256xf32>
      %get3A_48 = arith.constant 0 : index
      %get3A_49 = arith.constant 0 : index
      %get3A_50 = vector.load %arg5[%get3A_48, %get3A_49] : memref<1x256xf32, #tpu.memory_space<vmem>>, vector<1x256xf32>
      %mul3A_51 = arith.mulf %mul3A_35, %mul3A_47 : vector<1x256xf32>
      %sub3A_52 = arith.subf %get3A_50, %mul3A_51 : vector<1x256xf32>
      %concatenate3A_53 = tpu.concatenate %mul3A_47, %sub3A_52 in 0 : vector<1x256xf32>, vector<1x256xf32> -> vector<2x256xf32>
      %swap3A_54 = arith.constant 0 : index
      %swap3A_55 = arith.constant 0 : index
      %swap3A_56 = vector.load %arg7[%swap3A_54, %swap3A_55] : memref<2x256xf32, #tpu.memory_space<vmem>>, vector<2x256xf32>
      tpu.vector_store %arg7[%swap3A_54, %swap3A_55], %concatenate3A_53 {strides = array<i32>} : memref<2x256xf32, #tpu.memory_space<vmem>>, vector<2x256xf32>,
    } else {
    }
    return
  }
  func.func @transform_0(%arg0: i32) -> (i32, i32) {
    %c0_i32 = arith.constant 0 : i32
    %c0_i32_0 = arith.constant 0 : i32
    return %arg0, %c0_i32 : i32, i32
  }
  func.func @transform_1(%arg0: i32) -> (i32, i32) {
    %c0_i32 = arith.constant 0 : i32
    %c0_i32_0 = arith.constant 0 : i32
    %c0_i32_1 = arith.constant 0 : i32
    return %c0_i32, %c0_i32_0 : i32, i32
  }
  func.func @transform_2(%arg0: i32) -> (i32, i32) {
    %c0_i32 = arith.constant 0 : i32
    %c0_i32_0 = arith.constant 0 : i32
    %c0_i32_1 = arith.constant 0 : i32
    return %c0_i32, %c0_i32_0 : i32, i32
  }
  func.func @transform_3(%arg0: i32) -> (i32, i32) {
    %c0_i32 = arith.constant 0 : i32
    %c0_i32_0 = arith.constant 0 : i32
    %c0_i32_1 = arith.constant 0 : i32
    return %c0_i32, %c0_i32_0 : i32, i32
  }
  func.func @transform_4(%arg0: i32) -> (i32, i32) {
    %c0_i32 = arith.constant 0 : i32
    %c0_i32_0 = arith.constant 0 : i32
    %c0_i32_1 = arith.constant 0 : i32
    return %c0_i32, %c0_i32_0 : i32, i32
  }
  func.func @transform_5(%arg0: i32) -> (i32, i32) {
    %c0_i32 = arith.constant 0 : i32
    %c0_i32_0 = arith.constant 0 : i32
    return %arg0, %c0_i32 : i32, i32
  }
  func.func @transform_6(%arg0: i32) -> (i32, i32) {
    %c0_i32 = arith.constant 0 : i32
    %c0_i32_0 = arith.constant 0 : i32
    %c0_i32_1 = arith.constant 0 : i32
    return %c0_i32, %c0_i32_0 : i32, i32
  }
}

module attributes {stable_mosaic.version = 14 : i64} {
  func.func @_enc2_body(%arg0: i32, %arg1: memref<512x256xf32, #tpu.memory_space<vmem>>, %arg2: memref<2x256xf32, #tpu.memory_space<vmem>>, %arg3: memref<256x128xf32, #tpu.memory_space<vmem>>, %arg4: memref<1x128xf32, #tpu.memory_space<vmem>>, %arg5: memref<128x64xf32, #tpu.memory_space<vmem>>, %arg6: memref<1x64xf32, #tpu.memory_space<vmem>>, %arg7: memref<64x4096xf32, #tpu.memory_space<vmem>>, %arg8: memref<512x64xf32, #tpu.memory_space<vmem>>, %arg9: memref<1x1x512xi32, #tpu.memory_space<vmem>>) attributes {dimension_semantics = [#tpu.dimension_semantics<arbitrary>], iteration_bounds = array<i64: 32>, scalar_prefetch = 0 : i64, scratch_operands = 0 : i64, tpu.core_type = #tpu.core_type<tc>, window_params = [{transform_indices = @transform_0, window_bounds = array<i64: 512, 256>}, {pipeline_mode = #tpu.pipeline_mode<synchronous>, transform_indices = @transform_1, window_bounds = array<i64: 2, 256>}, {pipeline_mode = #tpu.pipeline_mode<synchronous>, transform_indices = @transform_2, window_bounds = array<i64: 256, 128>}, {pipeline_mode = #tpu.pipeline_mode<synchronous>, transform_indices = @transform_3, window_bounds = array<i64: 1, 128>}, {pipeline_mode = #tpu.pipeline_mode<synchronous>, transform_indices = @transform_4, window_bounds = array<i64: 128, 64>}, {pipeline_mode = #tpu.pipeline_mode<synchronous>, transform_indices = @transform_5, window_bounds = array<i64: 1, 64>}, {pipeline_mode = #tpu.pipeline_mode<synchronous>, transform_indices = @transform_6, window_bounds = array<i64: 64, 4096>}, {transform_indices = @transform_7, window_bounds = array<i64: 512, 64>}, {transform_indices = @transform_8, window_bounds = array<i64: 1, 1, 512>}]} {
    %get3A = arith.constant 0 : index
    %get3A_0 = arith.constant 0 : index
    %get3A_1 = vector.load %arg2[%get3A, %get3A_0] : memref<2x256xf32, #tpu.memory_space<vmem>>, vector<1x256xf32>
    %get3A_2 = arith.constant 1 : index
    %get3A_3 = arith.constant 0 : index
    %get3A_4 = vector.load %arg2[%get3A_2, %get3A_3] : memref<2x256xf32, #tpu.memory_space<vmem>>, vector<1x256xf32>
    %get3A_5 = arith.constant 0 : index
    %get3A_6 = arith.constant 0 : index
    %get3A_7 = vector.load %arg1[%get3A_5, %get3A_6] : memref<512x256xf32, #tpu.memory_space<vmem>>, vector<512x256xf32>
    %mul3A = vector.broadcast %get3A_1 : vector<1x256xf32> to vector<512x256xf32>
    %mul3A_8 = arith.mulf %get3A_7, %mul3A : vector<512x256xf32>
    %add3A = vector.broadcast %get3A_4 : vector<1x256xf32> to vector<512x256xf32>
    %add3A_9 = arith.addf %mul3A_8, %add3A : vector<512x256xf32>
    %max3A = arith.constant 0.000000e+00 : f32
    %max3A_10 = vector.broadcast %max3A : f32 to vector<512x256xf32>
    %max3A_11 = arith.maximumf %add3A_9, %max3A_10 : vector<512x256xf32>
    %get3A_12 = arith.constant 0 : index
    %get3A_13 = arith.constant 0 : index
    %get3A_14 = vector.load %arg3[%get3A_12, %get3A_13] : memref<256x128xf32, #tpu.memory_space<vmem>>, vector<256x128xf32>
    %dot_general3A = arith.constant dense<0.000000e+00> : vector<512x128xf32>
    %dot_general3A_15 = tpu.matmul %max3A_11, %get3A_14, %dot_general3A {dimension_numbers = #tpu.dot_dimension_numbers<[1], [0], [0], [1], [0, 0, 1, 1], [], []>, transpose_lhs_hint = false} : vector<512x256xf32>, vector<256x128xf32>, vector<512x128xf32> -> vector<512x128xf32>
    %get3A_16 = arith.constant 0 : index
    %get3A_17 = arith.constant 0 : index
    %get3A_18 = vector.load %arg4[%get3A_16, %get3A_17] : memref<1x128xf32, #tpu.memory_space<vmem>>, vector<1x128xf32>
    %add3A_19 = vector.broadcast %get3A_18 : vector<1x128xf32> to vector<512x128xf32>
    %add3A_20 = arith.addf %dot_general3A_15, %add3A_19 : vector<512x128xf32>
    %max3A_21 = arith.constant 0.000000e+00 : f32
    %max3A_22 = vector.broadcast %max3A_21 : f32 to vector<512x128xf32>
    %max3A_23 = arith.maximumf %add3A_20, %max3A_22 : vector<512x128xf32>
    %get3A_24 = arith.constant 0 : index
    %get3A_25 = arith.constant 0 : index
    %get3A_26 = vector.load %arg5[%get3A_24, %get3A_25] : memref<128x64xf32, #tpu.memory_space<vmem>>, vector<128x64xf32>
    %dot_general3A_27 = arith.constant dense<0.000000e+00> : vector<512x64xf32>
    %dot_general3A_28 = tpu.matmul %max3A_23, %get3A_26, %dot_general3A_27 {dimension_numbers = #tpu.dot_dimension_numbers<[1], [0], [0], [1], [0, 0, 1, 1], [], []>, transpose_lhs_hint = false} : vector<512x128xf32>, vector<128x64xf32>, vector<512x64xf32> -> vector<512x64xf32>
    %get3A_29 = arith.constant 0 : index
    %get3A_30 = arith.constant 0 : index
    %get3A_31 = vector.load %arg6[%get3A_29, %get3A_30] : memref<1x64xf32, #tpu.memory_space<vmem>>, vector<1x64xf32>
    %add3A_32 = vector.broadcast %get3A_31 : vector<1x64xf32> to vector<512x64xf32>
    %add3A_33 = arith.addf %dot_general3A_28, %add3A_32 : vector<512x64xf32>
    %tanh3A = math.tanh %add3A_33 : vector<512x64xf32>
    %swap3A = arith.constant 0 : index
    %swap3A_34 = arith.constant 0 : index
    %swap3A_35 = vector.load %arg8[%swap3A, %swap3A_34] : memref<512x64xf32, #tpu.memory_space<vmem>>, vector<512x64xf32>
    tpu.vector_store %arg8[%swap3A, %swap3A_34], %tanh3A {strides = array<i32>} : memref<512x64xf32, #tpu.memory_space<vmem>>, vector<512x64xf32>,
    %mul3A_36 = arith.mulf %tanh3A, %tanh3A : vector<512x64xf32>
    %slice3A = vector.extract_strided_slice %mul3A_36 {offsets = [0, 0], sizes = [512, 8], strides = [1, 1]} : vector<512x64xf32> to vector<512x8xf32>
    %slice3A_37 = vector.extract_strided_slice %mul3A_36 {offsets = [0, 8], sizes = [512, 8], strides = [1, 1]} : vector<512x64xf32> to vector<512x8xf32>
    %add3A_38 = arith.addf %slice3A, %slice3A_37 : vector<512x8xf32>
    %slice3A_39 = vector.extract_strided_slice %mul3A_36 {offsets = [0, 16], sizes = [512, 8], strides = [1, 1]} : vector<512x64xf32> to vector<512x8xf32>
    %add3A_40 = arith.addf %add3A_38, %slice3A_39 : vector<512x8xf32>
    %slice3A_41 = vector.extract_strided_slice %mul3A_36 {offsets = [0, 24], sizes = [512, 8], strides = [1, 1]} : vector<512x64xf32> to vector<512x8xf32>
    %add3A_42 = arith.addf %add3A_40, %slice3A_41 : vector<512x8xf32>
    %slice3A_43 = vector.extract_strided_slice %mul3A_36 {offsets = [0, 32], sizes = [512, 8], strides = [1, 1]} : vector<512x64xf32> to vector<512x8xf32>
    %add3A_44 = arith.addf %add3A_42, %slice3A_43 : vector<512x8xf32>
    %slice3A_45 = vector.extract_strided_slice %mul3A_36 {offsets = [0, 40], sizes = [512, 8], strides = [1, 1]} : vector<512x64xf32> to vector<512x8xf32>
    %add3A_46 = arith.addf %add3A_44, %slice3A_45 : vector<512x8xf32>
    %slice3A_47 = vector.extract_strided_slice %mul3A_36 {offsets = [0, 48], sizes = [512, 8], strides = [1, 1]} : vector<512x64xf32> to vector<512x8xf32>
    %add3A_48 = arith.addf %add3A_46, %slice3A_47 : vector<512x8xf32>
    %slice3A_49 = vector.extract_strided_slice %mul3A_36 {offsets = [0, 56], sizes = [512, 8], strides = [1, 1]} : vector<512x64xf32> to vector<512x8xf32>
    %add3A_50 = arith.addf %add3A_48, %slice3A_49 : vector<512x8xf32>
    %slice3A_51 = vector.extract_strided_slice %add3A_50 {offsets = [0, 0], sizes = [512, 4], strides = [1, 1]} : vector<512x8xf32> to vector<512x4xf32>
    %slice3A_52 = vector.extract_strided_slice %add3A_50 {offsets = [0, 4], sizes = [512, 4], strides = [1, 1]} : vector<512x8xf32> to vector<512x4xf32>
    %add3A_53 = arith.addf %slice3A_51, %slice3A_52 : vector<512x4xf32>
    %slice3A_54 = vector.extract_strided_slice %add3A_53 {offsets = [0, 0], sizes = [512, 2], strides = [1, 1]} : vector<512x4xf32> to vector<512x2xf32>
    %slice3A_55 = vector.extract_strided_slice %add3A_53 {offsets = [0, 2], sizes = [512, 2], strides = [1, 1]} : vector<512x4xf32> to vector<512x2xf32>
    %add3A_56 = arith.addf %slice3A_54, %slice3A_55 : vector<512x2xf32>
    %slice3A_57 = vector.extract_strided_slice %add3A_56 {offsets = [0, 0], sizes = [512, 1], strides = [1, 1]} : vector<512x2xf32> to vector<512x1xf32>
    %slice3A_58 = vector.extract_strided_slice %add3A_56 {offsets = [0, 1], sizes = [512, 1], strides = [1, 1]} : vector<512x2xf32> to vector<512x1xf32>
    %add3A_59 = arith.addf %slice3A_57, %slice3A_58 : vector<512x1xf32>
    %broadcast_in_dim3A = arith.constant 0x7F800000 : f32
    %broadcast_in_dim3A_60 = vector.broadcast %broadcast_in_dim3A : f32 to vector<512x1xf32>
    %broadcast_in_dim3A_61 = arith.constant 0 : i32
    %broadcast_in_dim3A_62 = vector.broadcast %broadcast_in_dim3A_61 : i32 to vector<512x1xi32>
    %get3A_63 = arith.constant 0 : index
    %get3A_64 = arith.constant 0 : index
    %get3A_65 = vector.load %arg7[%get3A_63, %get3A_64] : memref<64x4096xf32, #tpu.memory_space<vmem>>, vector<64x1024xf32>
    %mul3A_66 = arith.mulf %get3A_65, %get3A_65 : vector<64x1024xf32>
    %slice3A_67 = vector.extract_strided_slice %mul3A_66 {offsets = [0, 0], sizes = [8, 1024], strides = [1, 1]} : vector<64x1024xf32> to vector<8x1024xf32>
    %slice3A_68 = vector.extract_strided_slice %mul3A_66 {offsets = [8, 0], sizes = [8, 1024], strides = [1, 1]} : vector<64x1024xf32> to vector<8x1024xf32>
    %add3A_69 = arith.addf %slice3A_67, %slice3A_68 : vector<8x1024xf32>
    %slice3A_70 = vector.extract_strided_slice %mul3A_66 {offsets = [16, 0], sizes = [8, 1024], strides = [1, 1]} : vector<64x1024xf32> to vector<8x1024xf32>
    %add3A_71 = arith.addf %add3A_69, %slice3A_70 : vector<8x1024xf32>
    %slice3A_72 = vector.extract_strided_slice %mul3A_66 {offsets = [24, 0], sizes = [8, 1024], strides = [1, 1]} : vector<64x1024xf32> to vector<8x1024xf32>
    %add3A_73 = arith.addf %add3A_71, %slice3A_72 : vector<8x1024xf32>
    %slice3A_74 = vector.extract_strided_slice %mul3A_66 {offsets = [32, 0], sizes = [8, 1024], strides = [1, 1]} : vector<64x1024xf32> to vector<8x1024xf32>
    %add3A_75 = arith.addf %add3A_73, %slice3A_74 : vector<8x1024xf32>
    %slice3A_76 = vector.extract_strided_slice %mul3A_66 {offsets = [40, 0], sizes = [8, 1024], strides = [1, 1]} : vector<64x1024xf32> to vector<8x1024xf32>
    %add3A_77 = arith.addf %add3A_75, %slice3A_76 : vector<8x1024xf32>
    %slice3A_78 = vector.extract_strided_slice %mul3A_66 {offsets = [48, 0], sizes = [8, 1024], strides = [1, 1]} : vector<64x1024xf32> to vector<8x1024xf32>
    %add3A_79 = arith.addf %add3A_77, %slice3A_78 : vector<8x1024xf32>
    %slice3A_80 = vector.extract_strided_slice %mul3A_66 {offsets = [56, 0], sizes = [8, 1024], strides = [1, 1]} : vector<64x1024xf32> to vector<8x1024xf32>
    %add3A_81 = arith.addf %add3A_79, %slice3A_80 : vector<8x1024xf32>
    %slice3A_82 = vector.extract_strided_slice %add3A_81 {offsets = [0, 0], sizes = [4, 1024], strides = [1, 1]} : vector<8x1024xf32> to vector<4x1024xf32>
    %slice3A_83 = vector.extract_strided_slice %add3A_81 {offsets = [4, 0], sizes = [4, 1024], strides = [1, 1]} : vector<8x1024xf32> to vector<4x1024xf32>
    %add3A_84 = arith.addf %slice3A_82, %slice3A_83 : vector<4x1024xf32>
    %slice3A_85 = vector.extract_strided_slice %add3A_84 {offsets = [0, 0], sizes = [2, 1024], strides = [1, 1]} : vector<4x1024xf32> to vector<2x1024xf32>
    %slice3A_86 = vector.extract_strided_slice %add3A_84 {offsets = [2, 0], sizes = [2, 1024], strides = [1, 1]} : vector<4x1024xf32> to vector<2x1024xf32>
    %add3A_87 = arith.addf %slice3A_85, %slice3A_86 : vector<2x1024xf32>
    %slice3A_88 = vector.extract_strided_slice %add3A_87 {offsets = [0, 0], sizes = [1, 1024], strides = [1, 1]} : vector<2x1024xf32> to vector<1x1024xf32>
    %slice3A_89 = vector.extract_strided_slice %add3A_87 {offsets = [1, 0], sizes = [1, 1024], strides = [1, 1]} : vector<2x1024xf32> to vector<1x1024xf32>
    %add3A_90 = arith.addf %slice3A_88, %slice3A_89 : vector<1x1024xf32>
    %dot_general3A_91 = arith.constant dense<0.000000e+00> : vector<512x1024xf32>
    %dot_general3A_92 = tpu.matmul %tanh3A, %get3A_65, %dot_general3A_91 {dimension_numbers = #tpu.dot_dimension_numbers<[1], [0], [0], [1], [0, 0, 1, 1], [], []>, transpose_lhs_hint = false} : vector<512x64xf32>, vector<64x1024xf32>, vector<512x1024xf32> -> vector<512x1024xf32>
    %add3A_93 = vector.broadcast %add3A_59 : vector<512x1xf32> to vector<512x1024xf32>
    %add3A_94 = vector.broadcast %add3A_90 : vector<1x1024xf32> to vector<512x1024xf32>
    %add3A_95 = arith.addf %add3A_93, %add3A_94 : vector<512x1024xf32>
    %mul3A_96 = arith.constant 2.000000e+00 : f32
    %mul3A_97 = vector.broadcast %mul3A_96 : f32 to vector<512x1024xf32>
    %mul3A_98 = arith.mulf %mul3A_97, %dot_general3A_92 : vector<512x1024xf32>
    %sub3A = arith.subf %add3A_95, %mul3A_98 : vector<512x1024xf32>
    %reduce_min3A = arith.constant dense<0x7F800000> : vector<512xf32>
    %reduce_min3A_99 = vector.multi_reduction <minimumf>, %sub3A, %reduce_min3A [1] : vector<512x1024xf32> to vector<512xf32>
    %broadcast_in_dim3A_100 = vector.shape_cast %reduce_min3A_99 : vector<512xf32> to vector<512x1xf32>
    %iota3A = tpu.iota {dimensions = array<i32: 1>} : vector<512x1024xi32>
    %add3A_101 = arith.constant 0 : i32
    %add3A_102 = vector.broadcast %add3A_101 : i32 to vector<512x1024xi32>
    %add3A_103 = arith.addi %iota3A, %add3A_102 : vector<512x1024xi32>
    %le3A = vector.broadcast %broadcast_in_dim3A_100 : vector<512x1xf32> to vector<512x1024xf32>
    %le3A_104 = arith.cmpf ole, %sub3A, %le3A : vector<512x1024xf32>
    %jit3A = arith.constant 4096 : i32
    %broadcast_in_dim3A_105 = vector.broadcast %jit3A : i32 to vector<512x1024xi32>
    %select_n3A = arith.select %le3A_104, %add3A_103, %broadcast_in_dim3A_105 : vector<512x1024xi1>, vector<512x1024xi32>
    %reduce_min3A_106 = arith.constant dense<2147483647> : vector<512xi32>
    %reduce_min3A_107 = vector.multi_reduction <minsi>, %select_n3A, %reduce_min3A_106 [1] : vector<512x1024xi32> to vector<512xi32>
    %broadcast_in_dim3A_108 = vector.shape_cast %reduce_min3A_107 : vector<512xi32> to vector<512x1xi32>
    %lt3A = arith.cmpf olt, %broadcast_in_dim3A_100, %broadcast_in_dim3A_60 : vector<512x1xf32>
    %select_n3A_109 = arith.select %lt3A, %broadcast_in_dim3A_100, %broadcast_in_dim3A_60 : vector<512x1xi1>, vector<512x1xf32>
    %select_n3A_110 = arith.select %lt3A, %broadcast_in_dim3A_108, %broadcast_in_dim3A_62 : vector<512x1xi1>, vector<512x1xi32>
    %get3A_111 = arith.constant 0 : index
    %get3A_112 = arith.constant 1024 : index
    %get3A_113 = vector.load %arg7[%get3A_111, %get3A_112] : memref<64x4096xf32, #tpu.memory_space<vmem>>, vector<64x1024xf32>
    %mul3A_114 = arith.mulf %get3A_113, %get3A_113 : vector<64x1024xf32>
    %slice3A_115 = vector.extract_strided_slice %mul3A_114 {offsets = [0, 0], sizes = [8, 1024], strides = [1, 1]} : vector<64x1024xf32> to vector<8x1024xf32>
    %slice3A_116 = vector.extract_strided_slice %mul3A_114 {offsets = [8, 0], sizes = [8, 1024], strides = [1, 1]} : vector<64x1024xf32> to vector<8x1024xf32>
    %add3A_117 = arith.addf %slice3A_115, %slice3A_116 : vector<8x1024xf32>
    %slice3A_118 = vector.extract_strided_slice %mul3A_114 {offsets = [16, 0], sizes = [8, 1024], strides = [1, 1]} : vector<64x1024xf32> to vector<8x1024xf32>
    %add3A_119 = arith.addf %add3A_117, %slice3A_118 : vector<8x1024xf32>
    %slice3A_120 = vector.extract_strided_slice %mul3A_114 {offsets = [24, 0], sizes = [8, 1024], strides = [1, 1]} : vector<64x1024xf32> to vector<8x1024xf32>
    %add3A_121 = arith.addf %add3A_119, %slice3A_120 : vector<8x1024xf32>
    %slice3A_122 = vector.extract_strided_slice %mul3A_114 {offsets = [32, 0], sizes = [8, 1024], strides = [1, 1]} : vector<64x1024xf32> to vector<8x1024xf32>
    %add3A_123 = arith.addf %add3A_121, %slice3A_122 : vector<8x1024xf32>
    %slice3A_124 = vector.extract_strided_slice %mul3A_114 {offsets = [40, 0], sizes = [8, 1024], strides = [1, 1]} : vector<64x1024xf32> to vector<8x1024xf32>
    %add3A_125 = arith.addf %add3A_123, %slice3A_124 : vector<8x1024xf32>
    %slice3A_126 = vector.extract_strided_slice %mul3A_114 {offsets = [48, 0], sizes = [8, 1024], strides = [1, 1]} : vector<64x1024xf32> to vector<8x1024xf32>
    %add3A_127 = arith.addf %add3A_125, %slice3A_126 : vector<8x1024xf32>
    %slice3A_128 = vector.extract_strided_slice %mul3A_114 {offsets = [56, 0], sizes = [8, 1024], strides = [1, 1]} : vector<64x1024xf32> to vector<8x1024xf32>
    %add3A_129 = arith.addf %add3A_127, %slice3A_128 : vector<8x1024xf32>
    %slice3A_130 = vector.extract_strided_slice %add3A_129 {offsets = [0, 0], sizes = [4, 1024], strides = [1, 1]} : vector<8x1024xf32> to vector<4x1024xf32>
    %slice3A_131 = vector.extract_strided_slice %add3A_129 {offsets = [4, 0], sizes = [4, 1024], strides = [1, 1]} : vector<8x1024xf32> to vector<4x1024xf32>
    %add3A_132 = arith.addf %slice3A_130, %slice3A_131 : vector<4x1024xf32>
    %slice3A_133 = vector.extract_strided_slice %add3A_132 {offsets = [0, 0], sizes = [2, 1024], strides = [1, 1]} : vector<4x1024xf32> to vector<2x1024xf32>
    %slice3A_134 = vector.extract_strided_slice %add3A_132 {offsets = [2, 0], sizes = [2, 1024], strides = [1, 1]} : vector<4x1024xf32> to vector<2x1024xf32>
    %add3A_135 = arith.addf %slice3A_133, %slice3A_134 : vector<2x1024xf32>
    %slice3A_136 = vector.extract_strided_slice %add3A_135 {offsets = [0, 0], sizes = [1, 1024], strides = [1, 1]} : vector<2x1024xf32> to vector<1x1024xf32>
    %slice3A_137 = vector.extract_strided_slice %add3A_135 {offsets = [1, 0], sizes = [1, 1024], strides = [1, 1]} : vector<2x1024xf32> to vector<1x1024xf32>
    %add3A_138 = arith.addf %slice3A_136, %slice3A_137 : vector<1x1024xf32>
    %dot_general3A_139 = arith.constant dense<0.000000e+00> : vector<512x1024xf32>
    %dot_general3A_140 = tpu.matmul %tanh3A, %get3A_113, %dot_general3A_139 {dimension_numbers = #tpu.dot_dimension_numbers<[1], [0], [0], [1], [0, 0, 1, 1], [], []>, transpose_lhs_hint = false} : vector<512x64xf32>, vector<64x1024xf32>, vector<512x1024xf32> -> vector<512x1024xf32>
    %add3A_141 = vector.broadcast %add3A_59 : vector<512x1xf32> to vector<512x1024xf32>
    %add3A_142 = vector.broadcast %add3A_138 : vector<1x1024xf32> to vector<512x1024xf32>
    %add3A_143 = arith.addf %add3A_141, %add3A_142 : vector<512x1024xf32>
    %mul3A_144 = arith.constant 2.000000e+00 : f32
    %mul3A_145 = vector.broadcast %mul3A_144 : f32 to vector<512x1024xf32>
    %mul3A_146 = arith.mulf %mul3A_145, %dot_general3A_140 : vector<512x1024xf32>
    %sub3A_147 = arith.subf %add3A_143, %mul3A_146 : vector<512x1024xf32>
    %reduce_min3A_148 = arith.constant dense<0x7F800000> : vector<512xf32>
    %reduce_min3A_149 = vector.multi_reduction <minimumf>, %sub3A_147, %reduce_min3A_148 [1] : vector<512x1024xf32> to vector<512xf32>
    %broadcast_in_dim3A_150 = vector.shape_cast %reduce_min3A_149 : vector<512xf32> to vector<512x1xf32>
    %iota3A_151 = tpu.iota {dimensions = array<i32: 1>} : vector<512x1024xi32>
    %add3A_152 = arith.constant 1024 : i32
    %add3A_153 = vector.broadcast %add3A_152 : i32 to vector<512x1024xi32>
    %add3A_154 = arith.addi %iota3A_151, %add3A_153 : vector<512x1024xi32>
    %le3A_155 = vector.broadcast %broadcast_in_dim3A_150 : vector<512x1xf32> to vector<512x1024xf32>
    %le3A_156 = arith.cmpf ole, %sub3A_147, %le3A_155 : vector<512x1024xf32>
    %jit3A_157 = arith.constant 4096 : i32
    %broadcast_in_dim3A_158 = vector.broadcast %jit3A_157 : i32 to vector<512x1024xi32>
    %select_n3A_159 = arith.select %le3A_156, %add3A_154, %broadcast_in_dim3A_158 : vector<512x1024xi1>, vector<512x1024xi32>
    %reduce_min3A_160 = arith.constant dense<2147483647> : vector<512xi32>
    %reduce_min3A_161 = vector.multi_reduction <minsi>, %select_n3A_159, %reduce_min3A_160 [1] : vector<512x1024xi32> to vector<512xi32>
    %broadcast_in_dim3A_162 = vector.shape_cast %reduce_min3A_161 : vector<512xi32> to vector<512x1xi32>
    %lt3A_163 = arith.cmpf olt, %broadcast_in_dim3A_150, %select_n3A_109 : vector<512x1xf32>
    %select_n3A_164 = arith.select %lt3A_163, %broadcast_in_dim3A_150, %select_n3A_109 : vector<512x1xi1>, vector<512x1xf32>
    %select_n3A_165 = arith.select %lt3A_163, %broadcast_in_dim3A_162, %select_n3A_110 : vector<512x1xi1>, vector<512x1xi32>
    %get3A_166 = arith.constant 0 : index
    %get3A_167 = arith.constant 2048 : index
    %get3A_168 = vector.load %arg7[%get3A_166, %get3A_167] : memref<64x4096xf32, #tpu.memory_space<vmem>>, vector<64x1024xf32>
    %mul3A_169 = arith.mulf %get3A_168, %get3A_168 : vector<64x1024xf32>
    %slice3A_170 = vector.extract_strided_slice %mul3A_169 {offsets = [0, 0], sizes = [8, 1024], strides = [1, 1]} : vector<64x1024xf32> to vector<8x1024xf32>
    %slice3A_171 = vector.extract_strided_slice %mul3A_169 {offsets = [8, 0], sizes = [8, 1024], strides = [1, 1]} : vector<64x1024xf32> to vector<8x1024xf32>
    %add3A_172 = arith.addf %slice3A_170, %slice3A_171 : vector<8x1024xf32>
    %slice3A_173 = vector.extract_strided_slice %mul3A_169 {offsets = [16, 0], sizes = [8, 1024], strides = [1, 1]} : vector<64x1024xf32> to vector<8x1024xf32>
    %add3A_174 = arith.addf %add3A_172, %slice3A_173 : vector<8x1024xf32>
    %slice3A_175 = vector.extract_strided_slice %mul3A_169 {offsets = [24, 0], sizes = [8, 1024], strides = [1, 1]} : vector<64x1024xf32> to vector<8x1024xf32>
    %add3A_176 = arith.addf %add3A_174, %slice3A_175 : vector<8x1024xf32>
    %slice3A_177 = vector.extract_strided_slice %mul3A_169 {offsets = [32, 0], sizes = [8, 1024], strides = [1, 1]} : vector<64x1024xf32> to vector<8x1024xf32>
    %add3A_178 = arith.addf %add3A_176, %slice3A_177 : vector<8x1024xf32>
    %slice3A_179 = vector.extract_strided_slice %mul3A_169 {offsets = [40, 0], sizes = [8, 1024], strides = [1, 1]} : vector<64x1024xf32> to vector<8x1024xf32>
    %add3A_180 = arith.addf %add3A_178, %slice3A_179 : vector<8x1024xf32>
    %slice3A_181 = vector.extract_strided_slice %mul3A_169 {offsets = [48, 0], sizes = [8, 1024], strides = [1, 1]} : vector<64x1024xf32> to vector<8x1024xf32>
    %add3A_182 = arith.addf %add3A_180, %slice3A_181 : vector<8x1024xf32>
    %slice3A_183 = vector.extract_strided_slice %mul3A_169 {offsets = [56, 0], sizes = [8, 1024], strides = [1, 1]} : vector<64x1024xf32> to vector<8x1024xf32>
    %add3A_184 = arith.addf %add3A_182, %slice3A_183 : vector<8x1024xf32>
    %slice3A_185 = vector.extract_strided_slice %add3A_184 {offsets = [0, 0], sizes = [4, 1024], strides = [1, 1]} : vector<8x1024xf32> to vector<4x1024xf32>
    %slice3A_186 = vector.extract_strided_slice %add3A_184 {offsets = [4, 0], sizes = [4, 1024], strides = [1, 1]} : vector<8x1024xf32> to vector<4x1024xf32>
    %add3A_187 = arith.addf %slice3A_185, %slice3A_186 : vector<4x1024xf32>
    %slice3A_188 = vector.extract_strided_slice %add3A_187 {offsets = [0, 0], sizes = [2, 1024], strides = [1, 1]} : vector<4x1024xf32> to vector<2x1024xf32>
    %slice3A_189 = vector.extract_strided_slice %add3A_187 {offsets = [2, 0], sizes = [2, 1024], strides = [1, 1]} : vector<4x1024xf32> to vector<2x1024xf32>
    %add3A_190 = arith.addf %slice3A_188, %slice3A_189 : vector<2x1024xf32>
    %slice3A_191 = vector.extract_strided_slice %add3A_190 {offsets = [0, 0], sizes = [1, 1024], strides = [1, 1]} : vector<2x1024xf32> to vector<1x1024xf32>
    %slice3A_192 = vector.extract_strided_slice %add3A_190 {offsets = [1, 0], sizes = [1, 1024], strides = [1, 1]} : vector<2x1024xf32> to vector<1x1024xf32>
    %add3A_193 = arith.addf %slice3A_191, %slice3A_192 : vector<1x1024xf32>
    %dot_general3A_194 = arith.constant dense<0.000000e+00> : vector<512x1024xf32>
    %dot_general3A_195 = tpu.matmul %tanh3A, %get3A_168, %dot_general3A_194 {dimension_numbers = #tpu.dot_dimension_numbers<[1], [0], [0], [1], [0, 0, 1, 1], [], []>, transpose_lhs_hint = false} : vector<512x64xf32>, vector<64x1024xf32>, vector<512x1024xf32> -> vector<512x1024xf32>
    %add3A_196 = vector.broadcast %add3A_59 : vector<512x1xf32> to vector<512x1024xf32>
    %add3A_197 = vector.broadcast %add3A_193 : vector<1x1024xf32> to vector<512x1024xf32>
    %add3A_198 = arith.addf %add3A_196, %add3A_197 : vector<512x1024xf32>
    %mul3A_199 = arith.constant 2.000000e+00 : f32
    %mul3A_200 = vector.broadcast %mul3A_199 : f32 to vector<512x1024xf32>
    %mul3A_201 = arith.mulf %mul3A_200, %dot_general3A_195 : vector<512x1024xf32>
    %sub3A_202 = arith.subf %add3A_198, %mul3A_201 : vector<512x1024xf32>
    %reduce_min3A_203 = arith.constant dense<0x7F800000> : vector<512xf32>
    %reduce_min3A_204 = vector.multi_reduction <minimumf>, %sub3A_202, %reduce_min3A_203 [1] : vector<512x1024xf32> to vector<512xf32>
    %broadcast_in_dim3A_205 = vector.shape_cast %reduce_min3A_204 : vector<512xf32> to vector<512x1xf32>
    %iota3A_206 = tpu.iota {dimensions = array<i32: 1>} : vector<512x1024xi32>
    %add3A_207 = arith.constant 2048 : i32
    %add3A_208 = vector.broadcast %add3A_207 : i32 to vector<512x1024xi32>
    %add3A_209 = arith.addi %iota3A_206, %add3A_208 : vector<512x1024xi32>
    %le3A_210 = vector.broadcast %broadcast_in_dim3A_205 : vector<512x1xf32> to vector<512x1024xf32>
    %le3A_211 = arith.cmpf ole, %sub3A_202, %le3A_210 : vector<512x1024xf32>
    %jit3A_212 = arith.constant 4096 : i32
    %broadcast_in_dim3A_213 = vector.broadcast %jit3A_212 : i32 to vector<512x1024xi32>
    %select_n3A_214 = arith.select %le3A_211, %add3A_209, %broadcast_in_dim3A_213 : vector<512x1024xi1>, vector<512x1024xi32>
    %reduce_min3A_215 = arith.constant dense<2147483647> : vector<512xi32>
    %reduce_min3A_216 = vector.multi_reduction <minsi>, %select_n3A_214, %reduce_min3A_215 [1] : vector<512x1024xi32> to vector<512xi32>
    %broadcast_in_dim3A_217 = vector.shape_cast %reduce_min3A_216 : vector<512xi32> to vector<512x1xi32>
    %lt3A_218 = arith.cmpf olt, %broadcast_in_dim3A_205, %select_n3A_164 : vector<512x1xf32>
    %select_n3A_219 = arith.select %lt3A_218, %broadcast_in_dim3A_205, %select_n3A_164 : vector<512x1xi1>, vector<512x1xf32>
    %select_n3A_220 = arith.select %lt3A_218, %broadcast_in_dim3A_217, %select_n3A_165 : vector<512x1xi1>, vector<512x1xi32>
    %get3A_221 = arith.constant 0 : index
    %get3A_222 = arith.constant 3072 : index
    %get3A_223 = vector.load %arg7[%get3A_221, %get3A_222] : memref<64x4096xf32, #tpu.memory_space<vmem>>, vector<64x1024xf32>
    %mul3A_224 = arith.mulf %get3A_223, %get3A_223 : vector<64x1024xf32>
    %slice3A_225 = vector.extract_strided_slice %mul3A_224 {offsets = [0, 0], sizes = [8, 1024], strides = [1, 1]} : vector<64x1024xf32> to vector<8x1024xf32>
    %slice3A_226 = vector.extract_strided_slice %mul3A_224 {offsets = [8, 0], sizes = [8, 1024], strides = [1, 1]} : vector<64x1024xf32> to vector<8x1024xf32>
    %add3A_227 = arith.addf %slice3A_225, %slice3A_226 : vector<8x1024xf32>
    %slice3A_228 = vector.extract_strided_slice %mul3A_224 {offsets = [16, 0], sizes = [8, 1024], strides = [1, 1]} : vector<64x1024xf32> to vector<8x1024xf32>
    %add3A_229 = arith.addf %add3A_227, %slice3A_228 : vector<8x1024xf32>
    %slice3A_230 = vector.extract_strided_slice %mul3A_224 {offsets = [24, 0], sizes = [8, 1024], strides = [1, 1]} : vector<64x1024xf32> to vector<8x1024xf32>
    %add3A_231 = arith.addf %add3A_229, %slice3A_230 : vector<8x1024xf32>
    %slice3A_232 = vector.extract_strided_slice %mul3A_224 {offsets = [32, 0], sizes = [8, 1024], strides = [1, 1]} : vector<64x1024xf32> to vector<8x1024xf32>
    %add3A_233 = arith.addf %add3A_231, %slice3A_232 : vector<8x1024xf32>
    %slice3A_234 = vector.extract_strided_slice %mul3A_224 {offsets = [40, 0], sizes = [8, 1024], strides = [1, 1]} : vector<64x1024xf32> to vector<8x1024xf32>
    %add3A_235 = arith.addf %add3A_233, %slice3A_234 : vector<8x1024xf32>
    %slice3A_236 = vector.extract_strided_slice %mul3A_224 {offsets = [48, 0], sizes = [8, 1024], strides = [1, 1]} : vector<64x1024xf32> to vector<8x1024xf32>
    %add3A_237 = arith.addf %add3A_235, %slice3A_236 : vector<8x1024xf32>
    %slice3A_238 = vector.extract_strided_slice %mul3A_224 {offsets = [56, 0], sizes = [8, 1024], strides = [1, 1]} : vector<64x1024xf32> to vector<8x1024xf32>
    %add3A_239 = arith.addf %add3A_237, %slice3A_238 : vector<8x1024xf32>
    %slice3A_240 = vector.extract_strided_slice %add3A_239 {offsets = [0, 0], sizes = [4, 1024], strides = [1, 1]} : vector<8x1024xf32> to vector<4x1024xf32>
    %slice3A_241 = vector.extract_strided_slice %add3A_239 {offsets = [4, 0], sizes = [4, 1024], strides = [1, 1]} : vector<8x1024xf32> to vector<4x1024xf32>
    %add3A_242 = arith.addf %slice3A_240, %slice3A_241 : vector<4x1024xf32>
    %slice3A_243 = vector.extract_strided_slice %add3A_242 {offsets = [0, 0], sizes = [2, 1024], strides = [1, 1]} : vector<4x1024xf32> to vector<2x1024xf32>
    %slice3A_244 = vector.extract_strided_slice %add3A_242 {offsets = [2, 0], sizes = [2, 1024], strides = [1, 1]} : vector<4x1024xf32> to vector<2x1024xf32>
    %add3A_245 = arith.addf %slice3A_243, %slice3A_244 : vector<2x1024xf32>
    %slice3A_246 = vector.extract_strided_slice %add3A_245 {offsets = [0, 0], sizes = [1, 1024], strides = [1, 1]} : vector<2x1024xf32> to vector<1x1024xf32>
    %slice3A_247 = vector.extract_strided_slice %add3A_245 {offsets = [1, 0], sizes = [1, 1024], strides = [1, 1]} : vector<2x1024xf32> to vector<1x1024xf32>
    %add3A_248 = arith.addf %slice3A_246, %slice3A_247 : vector<1x1024xf32>
    %dot_general3A_249 = arith.constant dense<0.000000e+00> : vector<512x1024xf32>
    %dot_general3A_250 = tpu.matmul %tanh3A, %get3A_223, %dot_general3A_249 {dimension_numbers = #tpu.dot_dimension_numbers<[1], [0], [0], [1], [0, 0, 1, 1], [], []>, transpose_lhs_hint = false} : vector<512x64xf32>, vector<64x1024xf32>, vector<512x1024xf32> -> vector<512x1024xf32>
    %add3A_251 = vector.broadcast %add3A_59 : vector<512x1xf32> to vector<512x1024xf32>
    %add3A_252 = vector.broadcast %add3A_248 : vector<1x1024xf32> to vector<512x1024xf32>
    %add3A_253 = arith.addf %add3A_251, %add3A_252 : vector<512x1024xf32>
    %mul3A_254 = arith.constant 2.000000e+00 : f32
    %mul3A_255 = vector.broadcast %mul3A_254 : f32 to vector<512x1024xf32>
    %mul3A_256 = arith.mulf %mul3A_255, %dot_general3A_250 : vector<512x1024xf32>
    %sub3A_257 = arith.subf %add3A_253, %mul3A_256 : vector<512x1024xf32>
    %reduce_min3A_258 = arith.constant dense<0x7F800000> : vector<512xf32>
    %reduce_min3A_259 = vector.multi_reduction <minimumf>, %sub3A_257, %reduce_min3A_258 [1] : vector<512x1024xf32> to vector<512xf32>
    %broadcast_in_dim3A_260 = vector.shape_cast %reduce_min3A_259 : vector<512xf32> to vector<512x1xf32>
    %iota3A_261 = tpu.iota {dimensions = array<i32: 1>} : vector<512x1024xi32>
    %add3A_262 = arith.constant 3072 : i32
    %add3A_263 = vector.broadcast %add3A_262 : i32 to vector<512x1024xi32>
    %add3A_264 = arith.addi %iota3A_261, %add3A_263 : vector<512x1024xi32>
    %le3A_265 = vector.broadcast %broadcast_in_dim3A_260 : vector<512x1xf32> to vector<512x1024xf32>
    %le3A_266 = arith.cmpf ole, %sub3A_257, %le3A_265 : vector<512x1024xf32>
    %jit3A_267 = arith.constant 4096 : i32
    %broadcast_in_dim3A_268 = vector.broadcast %jit3A_267 : i32 to vector<512x1024xi32>
    %select_n3A_269 = arith.select %le3A_266, %add3A_264, %broadcast_in_dim3A_268 : vector<512x1024xi1>, vector<512x1024xi32>
    %reduce_min3A_270 = arith.constant dense<2147483647> : vector<512xi32>
    %reduce_min3A_271 = vector.multi_reduction <minsi>, %select_n3A_269, %reduce_min3A_270 [1] : vector<512x1024xi32> to vector<512xi32>
    %broadcast_in_dim3A_272 = vector.shape_cast %reduce_min3A_271 : vector<512xi32> to vector<512x1xi32>
    %lt3A_273 = arith.cmpf olt, %broadcast_in_dim3A_260, %select_n3A_219 : vector<512x1xf32>
    %select_n3A_274 = arith.select %lt3A_273, %broadcast_in_dim3A_272, %select_n3A_220 : vector<512x1xi1>, vector<512x1xi32>
    %reshape3A = vector.shape_cast %select_n3A_274 : vector<512x1xi32> to vector<512xi32>
    %swap3A_275 = arith.constant 0 : index
    %swap3A_276 = arith.constant 0 : index
    %swap3A_277 = arith.constant 0 : index
    %swap3A_278 = vector.load %arg9[%swap3A_275, %swap3A_276, %swap3A_277] : memref<1x1x512xi32, #tpu.memory_space<vmem>>, vector<1x1x512xi32>
    %swap3A_279 = vector.shape_cast %swap3A_278 : vector<1x1x512xi32> to vector<512xi32>
    %swap3A_280 = vector.shape_cast %reshape3A : vector<512xi32> to vector<1x1x512xi32>
    tpu.vector_store %arg9[%swap3A_275, %swap3A_276, %swap3A_277], %swap3A_280 {strides = array<i32>} : memref<1x1x512xi32, #tpu.memory_space<vmem>>, vector<1x1x512xi32>,
    return
  }
  func.func @transform_0(%arg0: i32) -> (i32, i32) {
    %c0_i32 = arith.constant 0 : i32
    %c0_i32_0 = arith.constant 0 : i32
    return %arg0, %c0_i32 : i32, i32
  }
  func.func @transform_1(%arg0: i32) -> (i32, i32) {
    %c0_i32 = arith.constant 0 : i32
    %c0_i32_0 = arith.constant 0 : i32
    %c0_i32_1 = arith.constant 0 : i32
    return %c0_i32, %c0_i32_0 : i32, i32
  }
  func.func @transform_2(%arg0: i32) -> (i32, i32) {
    %c0_i32 = arith.constant 0 : i32
    %c0_i32_0 = arith.constant 0 : i32
    %c0_i32_1 = arith.constant 0 : i32
    return %c0_i32, %c0_i32_0 : i32, i32
  }
  func.func @transform_3(%arg0: i32) -> (i32, i32) {
    %c0_i32 = arith.constant 0 : i32
    %c0_i32_0 = arith.constant 0 : i32
    %c0_i32_1 = arith.constant 0 : i32
    return %c0_i32, %c0_i32_0 : i32, i32
  }
  func.func @transform_4(%arg0: i32) -> (i32, i32) {
    %c0_i32 = arith.constant 0 : i32
    %c0_i32_0 = arith.constant 0 : i32
    %c0_i32_1 = arith.constant 0 : i32
    return %c0_i32, %c0_i32_0 : i32, i32
  }
  func.func @transform_5(%arg0: i32) -> (i32, i32) {
    %c0_i32 = arith.constant 0 : i32
    %c0_i32_0 = arith.constant 0 : i32
    %c0_i32_1 = arith.constant 0 : i32
    return %c0_i32, %c0_i32_0 : i32, i32
  }
  func.func @transform_6(%arg0: i32) -> (i32, i32) {
    %c0_i32 = arith.constant 0 : i32
    %c0_i32_0 = arith.constant 0 : i32
    %c0_i32_1 = arith.constant 0 : i32
    return %c0_i32, %c0_i32_0 : i32, i32
  }
  func.func @transform_7(%arg0: i32) -> (i32, i32) {
    %c0_i32 = arith.constant 0 : i32
    %c0_i32_0 = arith.constant 0 : i32
    return %arg0, %c0_i32 : i32, i32
  }
  func.func @transform_8(%arg0: i32) -> (i32, i32, i32) {
    %c0_i32 = arith.constant 0 : i32
    %c0_i32_0 = arith.constant 0 : i32
    %c0_i32_1 = arith.constant 0 : i32
    return %arg0, %c0_i32, %c0_i32_0 : i32, i32, i32
  }
}

module attributes {stable_mosaic.version = 14 : i64} {
  func.func @_dec_body(%arg0: i32, %arg1: memref<512x128xf32, #tpu.memory_space<vmem>>, %arg2: memref<512x64xf32, #tpu.memory_space<vmem>>, %arg3: memref<2x4096x128xf32, #tpu.memory_space<vmem>>, %arg4: memref<64x128xf32, #tpu.memory_space<vmem>>, %arg5: memref<1x128xf32, #tpu.memory_space<vmem>>, %arg6: memref<128x256xf32, #tpu.memory_space<vmem>>, %arg7: memref<1x256xf32, #tpu.memory_space<vmem>>, %arg8: memref<256x256xf32, #tpu.memory_space<vmem>>, %arg9: memref<1x256xf32, #tpu.memory_space<vmem>>, %arg10: memref<512x256xf32, #tpu.memory_space<vmem>>, %arg11: memref<1x1xf32, #tpu.memory_space<vmem>>, %arg12: memref<1x1xf32, #tpu.memory_space<vmem>>) attributes {dimension_semantics = [#tpu.dimension_semantics<arbitrary>], iteration_bounds = array<i64: 32>, scalar_prefetch = 0 : i64, scratch_operands = 0 : i64, tpu.core_type = #tpu.core_type<tc>, window_params = [{transform_indices = @transform_0, window_bounds = array<i64: 512, 128>}, {transform_indices = @transform_1, window_bounds = array<i64: 512, 64>}, {pipeline_mode = #tpu.pipeline_mode<synchronous>, transform_indices = @transform_2, window_bounds = array<i64: 2, 4096, 128>}, {pipeline_mode = #tpu.pipeline_mode<synchronous>, transform_indices = @transform_3, window_bounds = array<i64: 64, 128>}, {pipeline_mode = #tpu.pipeline_mode<synchronous>, transform_indices = @transform_4, window_bounds = array<i64: 1, 128>}, {pipeline_mode = #tpu.pipeline_mode<synchronous>, transform_indices = @transform_5, window_bounds = array<i64: 128, 256>}, {pipeline_mode = #tpu.pipeline_mode<synchronous>, transform_indices = @transform_6, window_bounds = array<i64: 1, 256>}, {pipeline_mode = #tpu.pipeline_mode<synchronous>, transform_indices = @transform_7, window_bounds = array<i64: 256, 256>}, {pipeline_mode = #tpu.pipeline_mode<synchronous>, transform_indices = @transform_8, window_bounds = array<i64: 1, 256>}, {transform_indices = @transform_9, window_bounds = array<i64: 512, 256>}, {pipeline_mode = #tpu.pipeline_mode<synchronous>, transform_indices = @transform_10, window_bounds = array<i64: 1, 1>}, {pipeline_mode = #tpu.pipeline_mode<synchronous>, transform_indices = @transform_11, window_bounds = array<i64: 1, 1>}]} {
    %eq3A = arith.constant 0 : i32
    %eq3A_0 = arith.cmpi eq, %arg0, %eq3A : i32
    %convert_element_type3A = arith.extui %eq3A_0 : i1 to i32
    %cond3A = arith.constant 0 : i32
    %cond3A_1 = arith.cmpi ne, %convert_element_type3A, %cond3A : i32
    scf.if %cond3A_1 {
      %broadcast_in_dim3A = arith.constant 0.000000e+00 : f32
      %broadcast_in_dim3A_60 = vector.broadcast %broadcast_in_dim3A : f32 to vector<1x1xf32>
      %swap3A_61 = arith.constant 0 : index
      %swap3A_62 = arith.constant 0 : index
      %swap3A_63 = vector.load %arg11[%swap3A_61, %swap3A_62] : memref<1x1xf32, #tpu.memory_space<vmem>>, vector<1x1xf32>
      tpu.vector_store %arg11[%swap3A_61, %swap3A_62], %broadcast_in_dim3A_60 {strides = array<i32>} : memref<1x1xf32, #tpu.memory_space<vmem>>, vector<1x1xf32>,
      %broadcast_in_dim3A_64 = arith.constant 0.000000e+00 : f32
      %broadcast_in_dim3A_65 = vector.broadcast %broadcast_in_dim3A_64 : f32 to vector<1x1xf32>
      %swap3A_66 = arith.constant 0 : index
      %swap3A_67 = arith.constant 0 : index
      %swap3A_68 = vector.load %arg12[%swap3A_66, %swap3A_67] : memref<1x1xf32, #tpu.memory_space<vmem>>, vector<1x1xf32>
      tpu.vector_store %arg12[%swap3A_66, %swap3A_67], %broadcast_in_dim3A_65 {strides = array<i32>} : memref<1x1xf32, #tpu.memory_space<vmem>>, vector<1x1xf32>,
    } else {
    }
    %get3A = arith.constant 0 : index
    %get3A_2 = arith.constant 0 : index
    %get3A_3 = vector.load %arg1[%get3A, %get3A_2] : memref<512x128xf32, #tpu.memory_space<vmem>>, vector<512x128xf32>
    %slice3A = vector.extract_strided_slice %get3A_3 {offsets = [0, 0], sizes = [512, 64], strides = [1, 1]} : vector<512x128xf32> to vector<512x64xf32>
    %get3A_4 = arith.constant 0 : index
    %get3A_5 = arith.constant 0 : index
    %get3A_6 = vector.load %arg2[%get3A_4, %get3A_5] : memref<512x64xf32, #tpu.memory_space<vmem>>, vector<512x64xf32>
    %sub3A = arith.subf %slice3A, %get3A_6 : vector<512x64xf32>
    %add3A = arith.addf %get3A_6, %sub3A : vector<512x64xf32>
    %get3A_7 = arith.constant 0 : index
    %get3A_8 = arith.constant 0 : index
    %get3A_9 = vector.load %arg4[%get3A_7, %get3A_8] : memref<64x128xf32, #tpu.memory_space<vmem>>, vector<64x128xf32>
    %dot_general3A = arith.constant dense<0.000000e+00> : vector<512x128xf32>
    %dot_general3A_10 = tpu.matmul %add3A, %get3A_9, %dot_general3A {dimension_numbers = #tpu.dot_dimension_numbers<[1], [0], [0], [1], [0, 0, 1, 1], [], []>, transpose_lhs_hint = false} : vector<512x64xf32>, vector<64x128xf32>, vector<512x128xf32> -> vector<512x128xf32>
    %get3A_11 = arith.constant 0 : index
    %get3A_12 = arith.constant 0 : index
    %get3A_13 = vector.load %arg5[%get3A_11, %get3A_12] : memref<1x128xf32, #tpu.memory_space<vmem>>, vector<1x128xf32>
    %add3A_14 = vector.broadcast %get3A_13 : vector<1x128xf32> to vector<512x128xf32>
    %add3A_15 = arith.addf %dot_general3A_10, %add3A_14 : vector<512x128xf32>
    %max3A = arith.constant 0.000000e+00 : f32
    %max3A_16 = vector.broadcast %max3A : f32 to vector<512x128xf32>
    %max3A_17 = arith.maximumf %add3A_15, %max3A_16 : vector<512x128xf32>
    %get3A_18 = arith.constant 0 : index
    %get3A_19 = arith.constant 0 : index
    %get3A_20 = vector.load %arg6[%get3A_18, %get3A_19] : memref<128x256xf32, #tpu.memory_space<vmem>>, vector<128x256xf32>
    %dot_general3A_21 = arith.constant dense<0.000000e+00> : vector<512x256xf32>
    %dot_general3A_22 = tpu.matmul %max3A_17, %get3A_20, %dot_general3A_21 {dimension_numbers = #tpu.dot_dimension_numbers<[1], [0], [0], [1], [0, 0, 1, 1], [], []>, transpose_lhs_hint = false} : vector<512x128xf32>, vector<128x256xf32>, vector<512x256xf32> -> vector<512x256xf32>
    %get3A_23 = arith.constant 0 : index
    %get3A_24 = arith.constant 0 : index
    %get3A_25 = vector.load %arg7[%get3A_23, %get3A_24] : memref<1x256xf32, #tpu.memory_space<vmem>>, vector<1x256xf32>
    %add3A_26 = vector.broadcast %get3A_25 : vector<1x256xf32> to vector<512x256xf32>
    %add3A_27 = arith.addf %dot_general3A_22, %add3A_26 : vector<512x256xf32>
    %max3A_28 = arith.constant 0.000000e+00 : f32
    %max3A_29 = vector.broadcast %max3A_28 : f32 to vector<512x256xf32>
    %max3A_30 = arith.maximumf %add3A_27, %max3A_29 : vector<512x256xf32>
    %get3A_31 = arith.constant 0 : index
    %get3A_32 = arith.constant 0 : index
    %get3A_33 = vector.load %arg8[%get3A_31, %get3A_32] : memref<256x256xf32, #tpu.memory_space<vmem>>, vector<256x256xf32>
    %dot_general3A_34 = arith.constant dense<0.000000e+00> : vector<512x256xf32>
    %dot_general3A_35 = tpu.matmul %max3A_30, %get3A_33, %dot_general3A_34 {dimension_numbers = #tpu.dot_dimension_numbers<[1], [0], [0], [1], [0, 0, 1, 1], [], []>, transpose_lhs_hint = false} : vector<512x256xf32>, vector<256x256xf32>, vector<512x256xf32> -> vector<512x256xf32>
    %get3A_36 = arith.constant 0 : index
    %get3A_37 = arith.constant 0 : index
    %get3A_38 = vector.load %arg9[%get3A_36, %get3A_37] : memref<1x256xf32, #tpu.memory_space<vmem>>, vector<1x256xf32>
    %add3A_39 = vector.broadcast %get3A_38 : vector<1x256xf32> to vector<512x256xf32>
    %add3A_40 = arith.addf %dot_general3A_35, %add3A_39 : vector<512x256xf32>
    %swap3A = arith.constant 0 : index
    %swap3A_41 = arith.constant 0 : index
    %swap3A_42 = vector.load %arg10[%swap3A, %swap3A_41] : memref<512x256xf32, #tpu.memory_space<vmem>>, vector<512x256xf32>
    tpu.vector_store %arg10[%swap3A, %swap3A_41], %add3A_40 {strides = array<i32>} : memref<512x256xf32, #tpu.memory_space<vmem>>, vector<512x256xf32>,
    %sub3A_43 = arith.subf %slice3A, %get3A_6 : vector<512x64xf32>
    %get3A_44 = arith.constant 0 : index
    %get3A_45 = arith.constant 0 : index
    %get3A_46 = vector.load %arg11[%get3A_44, %get3A_45] : memref<1x1xf32, #tpu.memory_space<vmem>>, vector<1x1xf32>
    %mul3A = arith.mulf %sub3A_43, %sub3A_43 : vector<512x64xf32>
    %reduce_sum3A = vector.shape_cast %mul3A : vector<512x64xf32> to vector<1x512x64xf32>
    %reduce_sum3A_47 = arith.constant dense<0.000000e+00> : vector<1xf32>
    %reduce_sum3A_48 = vector.multi_reduction <add>, %reduce_sum3A, %reduce_sum3A_47 [1, 2] : vector<1x512x64xf32> to vector<1xf32>
    %reduce_sum3A_49 = vector.shape_cast %reduce_sum3A_48 : vector<1xf32> to vector<1x1x1xf32>
    %reduce_sum3A_50 = vector.extract %reduce_sum3A_49[0, 0, 0] : f32 from vector<1x1x1xf32>
    %reshape3A = vector.broadcast %reduce_sum3A_50 : f32 to vector<1x1xf32>
    %add3A_51 = arith.addf %get3A_46, %reshape3A : vector<1x1xf32>
    %swap3A_52 = arith.constant 0 : index
    %swap3A_53 = arith.constant 0 : index
    %swap3A_54 = vector.load %arg11[%swap3A_52, %swap3A_53] : memref<1x1xf32, #tpu.memory_space<vmem>>, vector<1x1xf32>
    tpu.vector_store %arg11[%swap3A_52, %swap3A_53], %add3A_51 {strides = array<i32>} : memref<1x1xf32, #tpu.memory_space<vmem>>, vector<1x1xf32>,
    %eq3A_55 = arith.constant 31 : i32
    %eq3A_56 = arith.cmpi eq, %arg0, %eq3A_55 : i32
    %convert_element_type3A_57 = arith.extui %eq3A_56 : i1 to i32
    %cond3A_58 = arith.constant 0 : i32
    %cond3A_59 = arith.cmpi ne, %convert_element_type3A_57, %cond3A_58 : i32
    scf.if %cond3A_59 {
      %get3A_60 = arith.constant 0 : index
      %get3A_61 = arith.constant 0 : index
      %get3A_62 = vector.load %arg11[%get3A_60, %get3A_61] : memref<1x1xf32, #tpu.memory_space<vmem>>, vector<1x1xf32>
      %mul3A_63 = arith.constant 1.1920929E-6 : f32
      %mul3A_64 = vector.broadcast %mul3A_63 : f32 to vector<1x1xf32>
      %mul3A_65 = arith.mulf %get3A_62, %mul3A_64 : vector<1x1xf32>
      %swap3A_66 = arith.constant 0 : index
      %swap3A_67 = arith.constant 0 : index
      %swap3A_68 = vector.load %arg11[%swap3A_66, %swap3A_67] : memref<1x1xf32, #tpu.memory_space<vmem>>, vector<1x1xf32>
      tpu.vector_store %arg11[%swap3A_66, %swap3A_67], %mul3A_65 {strides = array<i32>} : memref<1x1xf32, #tpu.memory_space<vmem>>, vector<1x1xf32>,
      %get3A_69 = arith.constant 0 : index
      %get3A_70 = arith.constant 0 : index
      %get3A_71 = arith.constant 0 : index
      %get3A_72 = vector.load %arg3[%get3A_69, %get3A_70, %get3A_71] : memref<2x4096x128xf32, #tpu.memory_space<vmem>>, vector<1x4096x128xf32>
      %get3A_73 = vector.shape_cast %get3A_72 : vector<1x4096x128xf32> to vector<4096x128xf32>
      %get3A_74 = arith.constant 1 : index
      %get3A_75 = arith.constant 0 : index
      %get3A_76 = arith.constant 0 : index
      %get3A_77 = vector.load %arg3[%get3A_74, %get3A_75, %get3A_76] : memref<2x4096x128xf32, #tpu.memory_space<vmem>>, vector<1x4096x128xf32>
      %get3A_78 = vector.shape_cast %get3A_77 : vector<1x4096x128xf32> to vector<4096x128xf32>
      %add3A_79 = arith.addf %get3A_73, %get3A_78 : vector<4096x128xf32>
      %mul3A_80 = arith.constant 6.10351563E-5 : f32
      %mul3A_81 = vector.broadcast %mul3A_80 : f32 to vector<4096x128xf32>
      %mul3A_82 = arith.mulf %add3A_79, %mul3A_81 : vector<4096x128xf32>
      %add3A_83 = arith.constant 1.000000e-10 : f32
      %add3A_84 = vector.broadcast %add3A_83 : f32 to vector<4096x128xf32>
      %add3A_85 = arith.addf %mul3A_82, %add3A_84 : vector<4096x128xf32>
      %log3A = math.log %add3A_85 : vector<4096x128xf32>
      %mul3A_86 = arith.mulf %mul3A_82, %log3A : vector<4096x128xf32>
      %reduce_sum3A_87 = vector.shape_cast %mul3A_86 : vector<4096x128xf32> to vector<1x4096x128xf32>
      %reduce_sum3A_88 = arith.constant dense<0.000000e+00> : vector<1xf32>
      %reduce_sum3A_89 = vector.multi_reduction <add>, %reduce_sum3A_87, %reduce_sum3A_88 [1, 2] : vector<1x4096x128xf32> to vector<1xf32>
      %reduce_sum3A_90 = vector.shape_cast %reduce_sum3A_89 : vector<1xf32> to vector<1x1x1xf32>
      %reduce_sum3A_91 = vector.extract %reduce_sum3A_90[0, 0, 0] : f32 from vector<1x1x1xf32>
      %mul3A_92 = arith.constant 7.812500e-03 : f32
      %mul3A_93 = arith.mulf %reduce_sum3A_91, %mul3A_92 : f32
      %neg3A = arith.constant 0.000000e+00 : f32
      %neg3A_94 = arith.subf %neg3A, %mul3A_93 : f32
      %exp3A = math.exp %neg3A_94 : f32
      %reshape3A_95 = vector.broadcast %exp3A : f32 to vector<1x1xf32>
      %swap3A_96 = arith.constant 0 : index
      %swap3A_97 = arith.constant 0 : index
      %swap3A_98 = vector.load %arg12[%swap3A_96, %swap3A_97] : memref<1x1xf32, #tpu.memory_space<vmem>>, vector<1x1xf32>
      tpu.vector_store %arg12[%swap3A_96, %swap3A_97], %reshape3A_95 {strides = array<i32>} : memref<1x1xf32, #tpu.memory_space<vmem>>, vector<1x1xf32>,
    } else {
    }
    return
  }
  func.func @transform_0(%arg0: i32) -> (i32, i32) {
    %c0_i32 = arith.constant 0 : i32
    %c0_i32_0 = arith.constant 0 : i32
    return %arg0, %c0_i32 : i32, i32
  }
  func.func @transform_1(%arg0: i32) -> (i32, i32) {
    %c0_i32 = arith.constant 0 : i32
    %c0_i32_0 = arith.constant 0 : i32
    return %arg0, %c0_i32 : i32, i32
  }
  func.func @transform_2(%arg0: i32) -> (i32, i32, i32) {
    %c0_i32 = arith.constant 0 : i32
    %c0_i32_0 = arith.constant 0 : i32
    %c0_i32_1 = arith.constant 0 : i32
    %c0_i32_2 = arith.constant 0 : i32
    return %c0_i32, %c0_i32_0, %c0_i32_1 : i32, i32, i32
  }
  func.func @transform_3(%arg0: i32) -> (i32, i32) {
    %c0_i32 = arith.constant 0 : i32
    %c0_i32_0 = arith.constant 0 : i32
    %c0_i32_1 = arith.constant 0 : i32
    return %c0_i32, %c0_i32_0 : i32, i32
  }
  func.func @transform_4(%arg0: i32) -> (i32, i32) {
    %c0_i32 = arith.constant 0 : i32
    %c0_i32_0 = arith.constant 0 : i32
    %c0_i32_1 = arith.constant 0 : i32
    return %c0_i32, %c0_i32_0 : i32, i32
  }
  func.func @transform_5(%arg0: i32) -> (i32, i32) {
    %c0_i32 = arith.constant 0 : i32
    %c0_i32_0 = arith.constant 0 : i32
    %c0_i32_1 = arith.constant 0 : i32
    return %c0_i32, %c0_i32_0 : i32, i32
  }
  func.func @transform_6(%arg0: i32) -> (i32, i32) {
    %c0_i32 = arith.constant 0 : i32
    %c0_i32_0 = arith.constant 0 : i32
    %c0_i32_1 = arith.constant 0 : i32
    return %c0_i32, %c0_i32_0 : i32, i32
  }
  func.func @transform_7(%arg0: i32) -> (i32, i32) {
    %c0_i32 = arith.constant 0 : i32
    %c0_i32_0 = arith.constant 0 : i32
    %c0_i32_1 = arith.constant 0 : i32
    return %c0_i32, %c0_i32_0 : i32, i32
  }
  func.func @transform_8(%arg0: i32) -> (i32, i32) {
    %c0_i32 = arith.constant 0 : i32
    %c0_i32_0 = arith.constant 0 : i32
    %c0_i32_1 = arith.constant 0 : i32
    return %c0_i32, %c0_i32_0 : i32, i32
  }
  func.func @transform_9(%arg0: i32) -> (i32, i32) {
    %c0_i32 = arith.constant 0 : i32
    %c0_i32_0 = arith.constant 0 : i32
    return %arg0, %c0_i32 : i32, i32
  }
  func.func @transform_10(%arg0: i32) -> (i32, i32) {
    %c0_i32 = arith.constant 0 : i32
    %c0_i32_0 = arith.constant 0 : i32
    %c0_i32_1 = arith.constant 0 : i32
    return %c0_i32, %c0_i32_0 : i32, i32
  }
  func.func @transform_11(%arg0: i32) -> (i32, i32) {
    %c0_i32 = arith.constant 0 : i32
    %c0_i32_0 = arith.constant 0 : i32
    %c0_i32_1 = arith.constant 0 : i32
    return %c0_i32, %c0_i32_0 : i32, i32
  }
}

</mosaic_0001>

<sc_bundles>
// kernel: kernel.6.cloned.1.call-start
scs
__scs_entry_jumppad:
0x0: {  	(pc) =	sbr.rel $0x88, $3  }
0x1: {  	(tag) =	ssettag $0x0;
	lr =	simm.s32 $0x1  }
0x2: {  	[smem:$0x3F91] =	sst lr;
	_ =	strace $0xD0000000  }
0x3: {  	_ = 	snop  }
0x4: {  	_ = 	snop  }
0x5: {  	_ = 	snop  }
0x6: {  	_ = 	snop  }
0x7: {  	_ = 	snop  }
__scs_overlays_trampoline_lowered:
0x8: {  	[smem:$0x3FA0] =	sst s0  }
0x9: {  	[smem:$0x3FA1] =	sst s1  }
0xa: {  	[smem:$0x3FA2] =	sst s2  }
0xb: {  	[smem:$0x3FA3] =	sst s3  }
0xc: {  	[smem:$0x3FA4] =	sst s4  }
0xd: {  	[smem:$0x3FA5] =	sst s5  }
0xe: {  	[smem:$0x3FA6] =	sst s6  }
0xf: {  	[smem:$0x3FA7] =	sst s7  }
0x10: {  	[smem:$0x3FA8] =	sst s8  }
0x11: {  	[smem:$0x3FA9] =	sst s9;
	s0 =	simm.s32 @!p0 $0x0  }
0x12: {  	s1 =	sld [smem:$0x3F8F];
	s0 =	simm.s32 @p0 $0x1  }
0x13: {  	[smem:$0x3FAA] =	sst s0;
	s0 =	simm.s32 @!p1 $0x0  }
0x14: {  	s2 =	sld [smem:$0x3F8E];
	s0 =	simm.s32 @p1 $0x1  }
0x15: {  	[smem:$0x3FAB] =	sst s0;
	s0 =	simm.s32 @!p2 $0x0  }
0x16: {  	s3 =	sld [smem:$0x3FDB];
	s0 =	simm.s32 @p2 $0x1  }
0x17: {  	s4 =	simm.s32 $0x1BF5;
	[smem:$0x3FAD] =	sst s0  }
0x18: {  	s0 =	sld [smem:$0x3F90];
	_ =	swait.ge [sflag:s4], $0x0  }
0x19: {  	s7 =	sld [smem:$0x3F91]  }
0x1a: {  	s8 =	sadd.s32 $0xFFFFE003, lr  }
0x1b: {  	s9 =	sadd.s32 $0xFFFFFEF7, lr;
	s5 =	simm.s32 $0xFFFFFFFF;
	p2 =	slt.u32 s8, $0xFFFFF086  }
0x1c: {  	p1 =	slt.u32 s9, $0xF7A;
	s5 =	simm.s32 @!p2 $0x0  }
0x1d: {  	s5 =	simm.s32 @p1 $0x1;
	p0 =	seq.s32 s7, s2  }
0x1e: {  	s7 =	smul.u32 @!p0 $0xF7A, s2;
	p2 =	seq.s32 @!p0 s5, $0x0  }
0x1f: {  	s9 =	smul.u32 $0xF7A, s1;
	s8 =	simm.s32 @!p0 $0x1BF5;
	p2 =	por !p2, p0  }
0x20: {  	[sflag:s8] =	ssyncset.s32 @!p0 $0xFFFFF086;
	s6 =	sadd.s32 @!p0 s3, s7;
	s7 =	simm.s32 @!p0 $0x108  }
0x21: {  	s3 =	sadd.s32 s3, s9;
	s6 =	sadd.s32 @!p0 $0x88, s6;
	s7 =	simm.s32 @p2 $0x1082  }
0x22: {  	[simem:s7], [sflag:s8] =	dma.local @!p0 [hbm:s6], $0xF7A  }
0x23: {  	s9 =	sor.u32 $0xD0000000, s2;
	s6 =	simm.s32 $0x108;
	_ =	swait.ge @!p0 [sflag:s8], $0x0  }
0x24: {  	s3 =	sadd.s32 $0x88, s3;
	s6 =	simm.s32 @!p1 $0x1082;
	[sflag:s4] =	ssyncset.s32 $0xFFFFF086  }
0x25: {  	[simem:s6], [sflag:s4] =	dma.local [hbm:s3], $0xF7A  }
0x26: {  	[smem:$0x3F91] =	sst s1;
	(tag) =	ssettag s2;
	_ =	strace s9  }
0x27: {  	s1 =	sld [smem:$0x3FA1]  }
0x28: {  	s2 =	sld [smem:$0x3FA2]  }
0x29: {  	s4 =	sld [smem:$0x3FA4]  }
0x2a: {  	p0 =	seq.s32 s5, $0x0;
	s5 =	sld [smem:$0x3FA5]  }
0x2b: {  	s6 =	sld [smem:$0x3FA6]  }
0x2c: {  	s7 =	sld [smem:$0x3FA7]  }
0x2d: {  	s3 =	simm.s32 $0x108;
	s8 =	sld [smem:$0x3FA8]  }
0x2e: {  	s3 =	simm.s32 @!p0 $0x1082;
	s9 =	sld [smem:$0x3FA9]  }
0x2f: {  	lr =	sadd.s32 s0, s3;
	s0 =	sld [smem:$0x3FA0]  }
0x30: {  	s3 =	sld [smem:$0x3FA3]  }
0x31: {  	[smem:$0x3FAC] =	sst s10  }
0x32: {  	s10 =	sld [smem:$0x3FAA];
	_ =	sdelay $0x3  }
0x33: {  	p0 =	seq.s32 s10, $0x1;
	s10 =	sld [smem:$0x3FAC];
	_ =	sdelay $0x3  }
0x34: {  	[smem:$0x3FAC] =	sst s10  }
0x35: {  	s10 =	sld [smem:$0x3FAB];
	_ =	sdelay $0x3  }
0x36: {  	p1 =	seq.s32 s10, $0x1;
	s10 =	sld [smem:$0x3FAC];
	_ =	sdelay $0x3  }
0x37: {  	[smem:$0x3FAC] =	sst s10  }
0x38: {  	s10 =	sld [smem:$0x3FAD]  }
0x39: {  	_ = 	snop;
	(pc) =	sbr.ind lr, $3  }
0x3a: {  	_ = 	snop  }
0x3b: {  	_ = 	snop  }
0x3c: {  	p2 =	seq.s32 s10, $0x1;
	s10 =	sld [smem:$0x3FAC]  }
0x3d: {  	_ =	shalt  }
0x3e: {  	_ =	shalt  }
0x3f: {  	_ =	shalt  }
0x40: {  	_ =	shalt  }
0x41: {  	_ =	shalt  }
0x42: {  	_ =	shalt  }
0x43: {  	_ =	shalt  }
0x44: {  	_ =	shalt  }
0x45: {  	_ =	shalt  }
0x46: {  	_ =	shalt  }
0x47: {  	_ =	shalt  }
0x48: {  	_ =	shalt  }
0x49: {  	_ =	shalt  }
0x4a: {  	_ =	shalt  }
0x4b: {  	_ =	shalt  }
0x4c: {  	_ =	shalt  }
0x4d: {  	_ =	shalt  }
0x4e: {  	_ =	shalt  }
0x4f: {  	_ =	shalt  }
0x50: {  	_ =	shalt  }
0x51: {  	_ =	shalt  }
0x52: {  	_ =	shalt  }
0x53: {  	_ =	shalt  }
0x54: {  	_ =	shalt  }
0x55: {  	_ =	shalt  }
0x56: {  	_ =	shalt  }
0x57: {  	_ =	shalt  }
0x58: {  	_ =	shalt  }
0x59: {  	_ =	shalt  }
0x5a: {  	_ =	shalt  }
0x5b: {  	_ =	shalt  }
0x5c: {  	_ =	shalt  }
0x5d: {  	_ =	shalt  }
0x5e: {  	_ =	shalt  }
0x5f: {  	_ =	shalt  }
0x60: {  	_ =	shalt  }
0x61: {  	_ =	shalt  }
0x62: {  	_ =	shalt  }
0x63: {  	_ =	shalt  }
0x64: {  	_ =	shalt  }
0x65: {  	_ =	shalt  }
0x66: {  	_ =	shalt  }
0x67: {  	_ =	shalt  }
0x68: {  	_ =	shalt  }
0x69: {  	_ =	shalt  }
0x6a: {  	_ =	shalt  }
0x6b: {  	_ =	shalt  }
0x6c: {  	_ =	shalt  }
0x6d: {  	_ =	shalt  }
0x6e: {  	_ =	shalt  }
0x6f: {  	_ =	shalt  }
0x70: {  	_ =	shalt  }
0x71: {  	_ =	shalt  }
0x72: {  	_ =	shalt  }
0x73: {  	_ =	shalt  }
0x74: {  	_ =	shalt  }
0x75: {  	_ =	shalt  }
0x76: {  	_ =	shalt  }
0x77: {  	_ =	shalt  }
0x78: {  	_ =	shalt  }
0x79: {  	_ =	shalt  }
0x7a: {  	_ =	shalt  }
0x7b: {  	_ =	shalt  }
0x7c: {  	_ =	shalt  }
0x7d: {  	_ =	shalt  }
0x7e: {  	_ =	shalt  }
0x7f: {  	_ =	shalt  }
0x80: {  	_ =	shalt  }
0x81: {  	_ =	shalt  }
0x82: {  	_ =	shalt  }
0x83: {  	_ =	shalt  }
0x84: {  	_ =	shalt  }
0x85: {  	_ =	shalt  }
0x86: {  	_ =	shalt  }
0x87: {  	_ =	shalt  }
.Lfunc_end0:
.L_simem_size_0:
called_computation_lowered:
.L_overlay_start_0:
0x88: {  	s2 =	sld [smem:$0x3FD9]  }
0x89: {  	s3 =	sld [smem:$0x3FFE];
	_ =	sdelay $0x1  }
0x8a: {  	s1 =	srdreg.scid  }
0x8b: {  	s0 =	sand.u32 $0x1, s1  }
0x8c: {  	s14 =	sshll.u32 s0, $0xA;
	s2 =	sadd.s32 s3, s2  }
0x8d: {  	s2 =	sadd.s32 s2, s14  }
0x8e: {  	[smem:$0x3FB8] =	sst s2  }
0x8f: {  	_ = 	snop  }
0x90: {  	s2 =	sld [smem:$0x3FD0];
	_ =	sdelay $0x2  }
0x91: {  	s15 =	simm.s32 $0xA;
	s4 =	simm.s32 $0x10  }
0x92: {  	[smem:s4], [sflag:s15] =	dma.local [hbm:s2], $0x1  }
0x93: {  	_ =	swait.eq [sflag:s15], $0x1  }
0x94: {  	[sflag:s15] =	ssyncset.done $0x0  }
0x95: {  	[sflag:s15] =	ssyncadd.s32 $0xFFFFFFFF  }
0x96: {  	s16 =	sld [smem:$0x11];
	(tm) =	ssettm $0x1  }
0x97: {  	s17 =	sld [smem:$0x3FFB];
	_ =	sdelay $0x3  }
0x98: {  	_ =	strace s17  }
0x99: {  	s3 =	sld [smem:$0x3FFC];
	_ =	sdelay $0x3  }
0x9a: {  	_ =	strace s3  }
0x9b: {  	s3 =	sld [smem:$0x3FFD];
	_ =	sdelay $0x3  }
0x9c: {  	_ =	strace s3  }
0x9d: {  	_ =	strace $0x8FFFFFFF  }
0x9e: {  	s18 =	sld [smem:$0x3FDB];
	_ =	sdelay $0x1  }
0x9f: {  	s19 =	simm.s32 $_scs_section_size  }
0xa0: {  	s5 =	simm.s32 $_size__tile_overlayer_lowered;
	s6 =	simm.s32 $_tile_overlayer_lowered  }
0xa1: {  	s22 =	simm.s32 $0x1BFF;
	s21 =	sshll.u32 s6, $0x1;
	s3 =	sadd.s32 s19, s18  }
0xa2: {  	s7 =	simm.s32 $0x0;
	s20 =	sshll.u32 s5, $0x1;
	s5 =	sadd.s32 s21, s3  }
0xa3: {  	[timem:s7], [sflag:s22] =	dma.local [hbm:s5], s20  }
0xa4: {  	_ =	swait.ge [sflag:s22], s20  }
0xa5: {  	s4 =	ssub.s32 $0x0, s20;
	[sflag:s22] =	ssyncset.done $0x0  }
0xa6: {  	[sflag:s22] =	ssyncadd.s32 s4;
	_ =	sdelay $0x1  }
0xa7: {  	s23 =	simm.s32 $0x1B8B  }
0xa8: {  	_ =	swait.ge [sflag:s23], $0x1  }
0xa9: {  	[sflag:s23] =	ssyncset.done $0x0  }
0xaa: {  	s25 =	simm.s32 $0x1B8E;
	s24 =	sld [smem:$0x3FFE];
	[sflag:s23] =	ssyncadd.s32 $0xFFFFFFFF  }
0xab: {  	s26 =	simm.s32 $execute0_lowered;
	[smem:$0x3FD2] =	sst s25  }
0xac: {  	s5 =	sshll.u32 s26, $0x1;
	_ =	strace $0x80000046;
	[dreg:$0x1] =	wrdreg $0xFFFFFFFF  }
0xad: {  	s28 =	simm.s32 $_size_execute0_lowered;
	s3 =	sadd.s32 s3, s5;
	[dreg:$0x0] =	wrdreg $0x0  }
0xae: {  	s5 =	sshll.u32 s28, $0x1;
	[dreg:$0x2] =	wrdreg s3  }
0xaf: {  	[dreg:$0x3] =	wrdreg s5  }
0xb0: {  	[dreg:$0x4] =	wrdreg $0xC0  }
0xb1: {  	_ =	task [dreg:s7], $0x5FFFF  }
0xb2: {  	[dreg:$0x1] =	wrdreg $0xFFFFFFFF  }
0xb3: {  	[dreg:$0x0] =	wrdreg $0x60  }
0xb4: {  	[dreg:$0x2] =	wrdreg s24  }
0xb5: {  	[dreg:$0x3] =	wrdreg s16  }
0xb6: {  	[dreg:$0x4] =	wrdreg $0x142000  }
0xb7: {  	[dreg:$0x5] =	wrdreg $0x9  }
0xb8: {  	_ =	task.clear_ibuf [dreg:s7], $0x6FFFF;
	_ =	strace $0x90000046  }
0xb9: {  	s29 =	simm.s32 $0x9;
	_ =	strace $0x80000048  }
0xba: {  	_ =	swait.ge [sflag:s29], $0x1  }
0xbb: {  	[sflag:s29] =	ssyncadd.s32 $0xFFFFFFFF  }
0xbc: {  	_ =	strace $0x90000048  }
0xbd: {  	_ =	sfence  }
0xbe: {  	s30 =	sld [smem:$0x0];
	_ =	sdelay $0x2  }
0xbf: {  	s31 =	sshll.u32 s1, $0xD;
	s1 =	sshrl.u32 s1, $0x2  }
0xc0: {  	s3 =	sand.u32 $0x4000, s31;
	s1 =	sadd.s32 s1, s30  }
0xc1: {  	s0 =	sor.u32 s3, s0;
	s1 =	sshll.u32 s1, $0x11  }
0xc2: {  	s0 =	sor.u32 s1, s0  }
0xc3: {  	s0 =	sadd.s32 $0x8F2B, s0  }
0xc4: {  	[sflag:s0] =	ssyncadd.remote.s32 $0x1  }
0xc5: {  	_ =	sfence.sel $0xFFFF  }
0xc6: {  	[dreg:$0x0] =	wrdreg $0xFFFFFFFF;
	(pc) =	sbr.abs _section_cstart, $3  }
0xc7: {  	[dreg:$0x1] =	wrdreg $0xFFFFFFFF  }
0xc8: {  	_ =	task.clear_ibuf [dreg:s7], $0x2FFFF;
	_ =	strace $0x9FFFFFFF  }
0xc9: {  	(tm) =	ssettm $0x7FFFFFFF  }
tec
execute0_lowered:
.L_overlay_start_1:
0x0: {  	(tag) =	ssettag $0x1  }
0x1: {  	s0 =	rddreg [dreg:$0x0]  }
0x2: {  	s8 =	rddreg [dreg:$0x1]  }
0x3: {  	s1 =	rddreg [dreg:$0x2];
	s2 =	simm.s32 $0x0  }
0x4: {  	[smem:$0x7FF] =	sst s2;
	s17 =	sadd.s32 $0x4000, s1  }
0x5: {  	s18 =	sadd.s32 $0x8000, s1;
	_ =	strace $0x80000047;
	[dreg:$0x4] =	wrdreg s17  }
0x6: {  	s19 =	sadd.s32 $0xC000, s1;
	[dreg:$0x5] =	wrdreg s18  }
0x7: {  	s20 =	sadd.s32 $0x10000, s1;
	[dreg:$0x6] =	wrdreg s19  }
0x8: {  	s3 =	srdreg.scid;
	s21 =	sadd.s32 $0x14000, s1;
	[dreg:$0x7] =	wrdreg s20  }
0x9: {  	s9 =	stileid.u32;
	s22 =	sadd.s32 $0x18000, s1;
	[dreg:$0x8] =	wrdreg s21  }
0xa: {  	s28 =	simm.s32 $0x4200;
	s23 =	sadd.s32 $0x1C000, s1;
	[dreg:$0x9] =	wrdreg s22  }
0xb: {  	s29 =	simm.s32 $0x8200;
	s24 =	sadd.s32 $0x20000, s1;
	[dreg:$0xa] =	wrdreg s23  }
0xc: {  	s30 =	simm.s32 $0xC200;
	s25 =	sadd.s32 $0x24000, s1;
	[dreg:$0xb] =	wrdreg s24  }
0xd: {  	s31 =	simm.s32 $0x10200;
	s26 =	sadd.s32 $0x28000, s1;
	[dreg:$0xc] =	wrdreg s25  }
0xe: {  	s4 =	sand.u32 $0x1, s3;
	s12 =	sadd.s32 $0x2C000, s1;
	[dreg:$0xd] =	wrdreg s26  }
0xf: {  	s5 =	sshll.u32 s9, $0xA;
	s13 =	sadd.s32 $0x30000, s1;
	[dreg:$0xe] =	wrdreg s12  }
0x10: {  	s3 =	sadd.s32 $0x3200, s0;
	s14 =	sadd.s32 $0x34000, s1;
	[dreg:$0xf] =	wrdreg s13  }
0x11: {  	s15 =	sadd.s32 $0x38000, s1;
	p0 =	sne.s32 s9, $0x0;
	[dreg:$0x10] =	wrdreg s14  }
0x12: {  	s6 =	sshll.u32 s4, $0x9;
	[dreg:$0x11] =	wrdreg s15;
	s17 =	sadd.s32 $0x40000, s1  }
0x13: {  	s16 =	ssub.s32 $0x2, s4;
	s18 =	sadd.s32 $0x44000, s1;
	[dreg:$0x13] =	wrdreg s17  }
0x14: {  	s4 =	sshll.u32 s4, $0x10;
	s19 =	sadd.s32 $0x48000, s1;
	[dreg:$0x14] =	wrdreg s18  }
0x15: {  	s20 =	sadd.s32 $0x4C000, s1;
	s21 =	sadd.s32 $0x50000, s1;
	[dreg:$0x15] =	wrdreg s19  }
0x16: {  	s22 =	sadd.s32 $0x54000, s1;
	s23 =	sadd.s32 $0x58000, s1;
	[dreg:$0x16] =	wrdreg s20  }
0x17: {  	s26 =	sadd.s32 $0x5C000, s1;
	s12 =	sadd.s32 $0x64000, s1;
	[dreg:$0x17] =	wrdreg s21  }
0x18: {  	s13 =	sadd.s32 $0x68000, s1;
	s14 =	sadd.s32 $0x6C000, s1;
	[dreg:$0x18] =	wrdreg s22  }
0x19: {  	s15 =	sadd.s32 $0x70000, s1;
	s6 =	sor.u32 s6, s5;
	[dreg:$0x19] =	wrdreg s23  }
0x1a: {  	s10 =	sshrl.u32 s16, $0x1;
	[dreg:$0x1a] =	wrdreg s26;
	s17 =	sadd.s32 $0x78000, s1  }
0x1b: {  	s18 =	sadd.s32 $0x7C000, s1;
	s19 =	simm.s32 $0x2;
	s20 =	simm.s32 $0x80  }
0x1c: {  	s21 =	simm.s32 $0x100;
	s22 =	simm.s32 $0x180;
	s23 =	simm.s32 $0x200  }
0x1d: {  	s26 =	simm.s32 $0x1;
	s7 =	sshrl.u32 s6, $0x3;
	s10 =	ssub.s32 s16, s10  }
0x1e: {  	s11 =	sshll.u32 s6, $0x4;
	s16 =	sadd.s32 $0x3C000, s1;
	s7 =	sadd.s32 s7, s0  }
0x1f: {  	s0 =	sadd.s32 s4, s0;
	s8 =	sadd.s32 s8, s11;
	[dreg:$0x12] =	wrdreg s16  }
0x20: {  	s25 =	smax.u32 s10, $0x1;
	s11 =	sadd.s32 $0x60000, s1;
	s16 =	sadd.s32 $0x74000, s1  }
0x21: {  	s4 =	sadd.s32 $0x13200, s7;
	s5 =	sadd.s32 $0x13210, s7;
	s6 =	sadd.s32 $0x13220, s7  }
0x22: {  	v0 =	vimm.f32 $0.0e+00;
	v1 =	vimm.f32 $1.000000000e+00;
	s7 =	sadd.s32 $0x13230, s7;
	s24 =	sadd.s32 $0x13A00, s0;
	s0 =	simm.s32 $0x0  }
.LBB2_1:
0x23: {  	[tilespmem:s2], [sflag:$0x2] =	stream.linear.gather [hbm4b:s4+s2], $0x80, $0x38;
	[tilespmem:$0x1C200] =	vst v63  }
0x24: {  	_ =	swait.ge [sflag:s19], $0x80  }
0x25: {  	[sflag:s19] =	ssyncset.done $0x0  }
0x26: {  	[sflag:s19] =	ssyncadd.s32 $0xFFFFFF80  }
0x27: {  	[tilespmem:s20], [sflag:$0x2] =	stream.linear.gather [hbm4b:s5+s2], $0x80, $0x38;
	[tilespmem:$0x1C200] =	vst v63  }
0x28: {  	_ =	swait.ge [sflag:s19], $0x80  }
0x29: {  	[sflag:s19] =	ssyncset.done $0x0  }
0x2a: {  	[sflag:s19] =	ssyncadd.s32 $0xFFFFFF80  }
0x2b: {  	[tilespmem:s21], [sflag:$0x2] =	stream.linear.gather [hbm4b:s6+s2], $0x80, $0x38;
	[tilespmem:$0x1C200] =	vst v63  }
0x2c: {  	_ =	swait.ge [sflag:s19], $0x80  }
0x2d: {  	[sflag:s19] =	ssyncset.done $0x0  }
0x2e: {  	[sflag:s19] =	ssyncadd.s32 $0xFFFFFF80  }
0x2f: {  	[tilespmem:s22], [sflag:$0x2] =	stream.linear.gather [hbm4b:s7+s2], $0x80, $0x38;
	[tilespmem:$0x1C200] =	vst v63  }
0x30: {  	_ =	swait.ge [sflag:s19], $0x80  }
0x31: {  	[sflag:s19] =	ssyncset.done $0x0  }
0x32: {  	[sflag:s19] =	ssyncadd.s32 $0xFFFFFF80  }
0x33: {  	[tilespmem:s23], [sflag:$0x1] =	stream.indirect.gather [hbm4b:s3+s20], $0x80, s2, s20, $0xb8;
	[tilespmem:$0x1C200] =	vst v63  }
0x34: {  	_ =	swait.ge [sflag:s26], $0x4000  }
0x35: {  	[sflag:s26] =	ssyncset.done $0x0  }
0x36: {  	[sflag:s26] =	ssyncadd.s32 $0xFFFFC000  }
0x37: {  	[tilespmem:s28], [sflag:$0x1] =	stream.indirect.gather [hbm4b:s3+s20], $0x80, s20, s20, $0xb8;
	[tilespmem:$0x1C200] =	vst v63  }
0x38: {  	_ =	swait.ge [sflag:s26], $0x4000  }
0x39: {  	[sflag:s26] =	ssyncset.done $0x0  }
0x3a: {  	[sflag:s26] =	ssyncadd.s32 $0xFFFFC000  }
0x3b: {  	[tilespmem:s29], [sflag:$0x1] =	stream.indirect.gather [hbm4b:s3+s20], $0x80, s21, s20, $0xb8;
	[tilespmem:$0x1C200] =	vst v63  }
0x3c: {  	_ =	swait.ge [sflag:s26], $0x4000  }
0x3d: {  	[sflag:s26] =	ssyncset.done $0x0  }
0x3e: {  	[sflag:s26] =	ssyncadd.s32 $0xFFFFC000  }
0x3f: {  	[tilespmem:s30], [sflag:$0x1] =	stream.indirect.gather [hbm4b:s3+s20], $0x80, s22, s20, $0xb8;
	[tilespmem:$0x1C200] =	vst v63  }
0x40: {  	_ =	swait.ge [sflag:s26], $0x4000  }
0x41: {  	[sflag:s26] =	ssyncset.done $0x0  }
0x42: {  	[sflag:s26] =	ssyncadd.s32 $0xFFFFC000  }
0x43: {  	[hbm4b:s8+s2] =	stream.linear.scatter [tilespmem:s23], [sflag:$0x2], $0x10000, $0x38;
	[tilespmem:$0x1C200] =	vst v63  }
0x44: {  	_ =	swait.ge [sflag:s19], $0x10000  }
0x45: {  	[sflag:s19] =	ssyncset.done $0x0  }
0x46: {  	s9 =	simm.s32 $0x0;
	s10 =	simm.s32 $0x200;
	[sflag:s19] =	ssyncadd.s32 $0xFFFF0000  }
.LBB2_2:
0x47: {  	p1 =	sne.s32 s10, $0xFE00;
	[tilespmem:s9+$0x10270] =	vst v0  }
0x48: {  	[tilespmem:s9+$0x10200] =	vst v0  }
0x49: {  	[tilespmem:s9+$0x10210] =	vst v0  }
.Ltmp0:
0x4a: {  	[tilespmem:s9+$0x10220] =	vst v0;
	(pc) =	sbr.rel @p1 .LBB2_2-.Ltmp0, $4  }
0x4b: {  	[tilespmem:s9+$0x10230] =	vst v0  }
0x4c: {  	[tilespmem:s9+$0x10240] =	vst v0  }
0x4d: {  	[tilespmem:s9+$0x10250] =	vst v0  }
0x4e: {  	[tilespmem:s9+$0x10260] =	vst v0;
	s9 =	sshra.s32 s10, $0x2;
	s10 =	sadd.s32 $0x200, s10  }
0x4f: {  	[tilespmem:s9+$0x10270] =	vst v0  }
0x50: {  	[tilespmem:s9+$0x10200] =	vst v0  }
0x51: {  	[tilespmem:s9+$0x10210] =	vst v0  }
.Ltmp1:
0x52: {  	[tilespmem:s9+$0x10220] =	vst v0;
	(pc) =	sbr.rel @p0 .LBB2_5-.Ltmp1, $4  }
0x53: {  	[tilespmem:s9+$0x10230] =	vst v0  }
0x54: {  	[tilespmem:s9+$0x10240] =	vst v0  }
0x55: {  	[tilespmem:s9+$0x10250] =	vst v0  }
0x56: {  	[tilespmem:s9+$0x10260] =	vst v0  }
0x57: {  	[spmem:s1] =	stream.linear.scatter [tilespmem:s31], [sflag:$0x2], $0x4000, $0x38;
	[tilespmem:$0x1C200] =	vst v63  }
0x58: {  	_ =	swait.ge [sflag:s19], $0x4000  }
0x59: {  	[sflag:s19] =	ssyncset.done $0x0  }
0x5a: {  	s9 =	rddreg [dreg:$0x4];
	[sflag:s19] =	ssyncadd.s32 $0xFFFFC000  }
0x5b: {  	[spmem:s9] =	stream.linear.scatter [tilespmem:s31], [sflag:$0x2], $0x4000, $0x38;
	[tilespmem:$0x1C200] =	vst v63  }
0x5c: {  	_ =	swait.ge [sflag:s19], $0x4000  }
0x5d: {  	[sflag:s19] =	ssyncset.done $0x0  }
0x5e: {  	s10 =	rddreg [dreg:$0x5];
	[sflag:s19] =	ssyncadd.s32 $0xFFFFC000  }
0x5f: {  	[spmem:s10] =	stream.linear.scatter [tilespmem:s31], [sflag:$0x2], $0x4000, $0x38;
	[tilespmem:$0x1C200] =	vst v63  }
0x60: {  	_ =	swait.ge [sflag:s19], $0x4000  }
0x61: {  	[sflag:s19] =	ssyncset.done $0x0  }
0x62: {  	s10 =	rddreg [dreg:$0x6];
	[sflag:s19] =	ssyncadd.s32 $0xFFFFC000  }
0x63: {  	[spmem:s10] =	stream.linear.scatter [tilespmem:s31], [sflag:$0x2], $0x4000, $0x38;
	[tilespmem:$0x1C200] =	vst v63  }
0x64: {  	_ =	swait.ge [sflag:s19], $0x4000  }
0x65: {  	[sflag:s19] =	ssyncset.done $0x0  }
0x66: {  	s10 =	rddreg [dreg:$0x7];
	[sflag:s19] =	ssyncadd.s32 $0xFFFFC000  }
0x67: {  	[spmem:s10] =	stream.linear.scatter [tilespmem:s31], [sflag:$0x2], $0x4000, $0x38;
	[tilespmem:$0x1C200] =	vst v63  }
0x68: {  	_ =	swait.ge [sflag:s19], $0x4000  }
0x69: {  	[sflag:s19] =	ssyncset.done $0x0  }
0x6a: {  	s10 =	rddreg [dreg:$0x8];
	[sflag:s19] =	ssyncadd.s32 $0xFFFFC000  }
0x6b: {  	[spmem:s10] =	stream.linear.scatter [tilespmem:s31], [sflag:$0x2], $0x4000, $0x38;
	[tilespmem:$0x1C200] =	vst v63  }
0x6c: {  	_ =	swait.ge [sflag:s19], $0x4000  }
0x6d: {  	[sflag:s19] =	ssyncset.done $0x0  }
0x6e: {  	s10 =	rddreg [dreg:$0x9];
	[sflag:s19] =	ssyncadd.s32 $0xFFFFC000  }
0x6f: {  	[spmem:s10] =	stream.linear.scatter [tilespmem:s31], [sflag:$0x2], $0x4000, $0x38;
	[tilespmem:$0x1C200] =	vst v63  }
0x70: {  	_ =	swait.ge [sflag:s19], $0x4000  }
0x71: {  	[sflag:s19] =	ssyncset.done $0x0  }
0x72: {  	s10 =	rddreg [dreg:$0xa];
	[sflag:s19] =	ssyncadd.s32 $0xFFFFC000  }
0x73: {  	[spmem:s10] =	stream.linear.scatter [tilespmem:s31], [sflag:$0x2], $0x4000, $0x38;
	[tilespmem:$0x1C200] =	vst v63  }
0x74: {  	_ =	swait.ge [sflag:s19], $0x4000  }
0x75: {  	[sflag:s19] =	ssyncset.done $0x0  }
0x76: {  	s10 =	rddreg [dreg:$0xb];
	[sflag:s19] =	ssyncadd.s32 $0xFFFFC000  }
0x77: {  	[spmem:s10] =	stream.linear.scatter [tilespmem:s31], [sflag:$0x2], $0x4000, $0x38;
	[tilespmem:$0x1C200] =	vst v63  }
0x78: {  	_ =	swait.ge [sflag:s19], $0x4000  }
0x79: {  	[sflag:s19] =	ssyncset.done $0x0  }
0x7a: {  	s10 =	rddreg [dreg:$0xc];
	[sflag:s19] =	ssyncadd.s32 $0xFFFFC000  }
0x7b: {  	[spmem:s10] =	stream.linear.scatter [tilespmem:s31], [sflag:$0x2], $0x4000, $0x38;
	[tilespmem:$0x1C200] =	vst v63  }
0x7c: {  	_ =	swait.ge [sflag:s19], $0x4000  }
0x7d: {  	[sflag:s19] =	ssyncset.done $0x0  }
0x7e: {  	s10 =	rddreg [dreg:$0xd];
	[sflag:s19] =	ssyncadd.s32 $0xFFFFC000  }
0x7f: {  	[spmem:s10] =	stream.linear.scatter [tilespmem:s31], [sflag:$0x2], $0x4000, $0x38;
	[tilespmem:$0x1C200] =	vst v63  }
0x80: {  	_ =	swait.ge [sflag:s19], $0x4000  }
0x81: {  	[sflag:s19] =	ssyncset.done $0x0  }
0x82: {  	s10 =	rddreg [dreg:$0xe];
	[sflag:s19] =	ssyncadd.s32 $0xFFFFC000  }
0x83: {  	[spmem:s10] =	stream.linear.scatter [tilespmem:s31], [sflag:$0x2], $0x4000, $0x38;
	[tilespmem:$0x1C200] =	vst v63  }
0x84: {  	_ =	swait.ge [sflag:s19], $0x4000  }
0x85: {  	[sflag:s19] =	ssyncset.done $0x0  }
0x86: {  	s10 =	rddreg [dreg:$0xf];
	[sflag:s19] =	ssyncadd.s32 $0xFFFFC000  }
0x87: {  	[spmem:s10] =	stream.linear.scatter [tilespmem:s31], [sflag:$0x2], $0x4000, $0x38;
	[tilespmem:$0x1C200] =	vst v63  }
0x88: {  	_ =	swait.ge [sflag:s19], $0x4000  }
0x89: {  	[sflag:s19] =	ssyncset.done $0x0  }
0x8a: {  	s10 =	rddreg [dreg:$0x10];
	[sflag:s19] =	ssyncadd.s32 $0xFFFFC000  }
0x8b: {  	[spmem:s10] =	stream.linear.scatter [tilespmem:s31], [sflag:$0x2], $0x4000, $0x38;
	[tilespmem:$0x1C200] =	vst v63  }
0x8c: {  	_ =	swait.ge [sflag:s19], $0x4000  }
0x8d: {  	[sflag:s19] =	ssyncset.done $0x0  }
0x8e: {  	s10 =	rddreg [dreg:$0x11];
	[sflag:s19] =	ssyncadd.s32 $0xFFFFC000  }
0x8f: {  	[spmem:s10] =	stream.linear.scatter [tilespmem:s31], [sflag:$0x2], $0x4000, $0x38;
	[tilespmem:$0x1C200] =	vst v63  }
0x90: {  	_ =	swait.ge [sflag:s19], $0x4000  }
0x91: {  	[sflag:s19] =	ssyncset.done $0x0  }
0x92: {  	s10 =	rddreg [dreg:$0x12];
	[sflag:s19] =	ssyncadd.s32 $0xFFFFC000  }
0x93: {  	[spmem:s10] =	stream.linear.scatter [tilespmem:s31], [sflag:$0x2], $0x4000, $0x38;
	[tilespmem:$0x1C200] =	vst v63  }
0x94: {  	_ =	swait.ge [sflag:s19], $0x4000  }
0x95: {  	[sflag:s19] =	ssyncset.done $0x0  }
0x96: {  	s10 =	rddreg [dreg:$0x13];
	[sflag:s19] =	ssyncadd.s32 $0xFFFFC000  }
0x97: {  	[spmem:s10] =	stream.linear.scatter [tilespmem:s31], [sflag:$0x2], $0x4000, $0x38;
	[tilespmem:$0x1C200] =	vst v63  }
0x98: {  	_ =	swait.ge [sflag:s19], $0x4000  }
0x99: {  	[sflag:s19] =	ssyncset.done $0x0  }
0x9a: {  	s10 =	rddreg [dreg:$0x14];
	[sflag:s19] =	ssyncadd.s32 $0xFFFFC000  }
0x9b: {  	[spmem:s10] =	stream.linear.scatter [tilespmem:s31], [sflag:$0x2], $0x4000, $0x38;
	[tilespmem:$0x1C200] =	vst v63  }
0x9c: {  	_ =	swait.ge [sflag:s19], $0x4000  }
0x9d: {  	[sflag:s19] =	ssyncset.done $0x0  }
0x9e: {  	s10 =	rddreg [dreg:$0x15];
	[sflag:s19] =	ssyncadd.s32 $0xFFFFC000  }
0x9f: {  	[spmem:s10] =	stream.linear.scatter [tilespmem:s31], [sflag:$0x2], $0x4000, $0x38;
	[tilespmem:$0x1C200] =	vst v63  }
0xa0: {  	_ =	swait.ge [sflag:s19], $0x4000  }
0xa1: {  	[sflag:s19] =	ssyncset.done $0x0  }
0xa2: {  	s10 =	rddreg [dreg:$0x16];
	[sflag:s19] =	ssyncadd.s32 $0xFFFFC000  }
0xa3: {  	[spmem:s10] =	stream.linear.scatter [tilespmem:s31], [sflag:$0x2], $0x4000, $0x38;
	[tilespmem:$0x1C200] =	vst v63  }
0xa4: {  	_ =	swait.ge [sflag:s19], $0x4000  }
0xa5: {  	[sflag:s19] =	ssyncset.done $0x0  }
0xa6: {  	s10 =	rddreg [dreg:$0x17];
	[sflag:s19] =	ssyncadd.s32 $0xFFFFC000  }
0xa7: {  	[spmem:s10] =	stream.linear.scatter [tilespmem:s31], [sflag:$0x2], $0x4000, $0x38;
	[tilespmem:$0x1C200] =	vst v63  }
0xa8: {  	_ =	swait.ge [sflag:s19], $0x4000  }
0xa9: {  	[sflag:s19] =	ssyncset.done $0x0  }
0xaa: {  	s10 =	rddreg [dreg:$0x18];
	[sflag:s19] =	ssyncadd.s32 $0xFFFFC000  }
0xab: {  	[spmem:s10] =	stream.linear.scatter [tilespmem:s31], [sflag:$0x2], $0x4000, $0x38;
	[tilespmem:$0x1C200] =	vst v63  }
0xac: {  	_ =	swait.ge [sflag:s19], $0x4000  }
0xad: {  	[sflag:s19] =	ssyncset.done $0x0  }
0xae: {  	s10 =	rddreg [dreg:$0x19];
	[sflag:s19] =	ssyncadd.s32 $0xFFFFC000  }
0xaf: {  	[spmem:s10] =	stream.linear.scatter [tilespmem:s31], [sflag:$0x2], $0x4000, $0x38;
	[tilespmem:$0x1C200] =	vst v63  }
0xb0: {  	_ =	swait.ge [sflag:s19], $0x4000  }
0xb1: {  	[sflag:s19] =	ssyncset.done $0x0  }
0xb2: {  	s10 =	rddreg [dreg:$0x1a];
	[sflag:s19] =	ssyncadd.s32 $0xFFFFC000  }
0xb3: {  	[spmem:s10] =	stream.linear.scatter [tilespmem:s31], [sflag:$0x2], $0x4000, $0x38;
	[tilespmem:$0x1C200] =	vst v63  }
0xb4: {  	_ =	swait.ge [sflag:s19], $0x4000  }
0xb5: {  	[sflag:s19] =	ssyncset.done $0x0  }
0xb6: {  	[sflag:s19] =	ssyncadd.s32 $0xFFFFC000  }
0xb7: {  	[spmem:s11] =	stream.linear.scatter [tilespmem:s31], [sflag:$0x2], $0x4000, $0x38;
	[tilespmem:$0x1C200] =	vst v63  }
0xb8: {  	_ =	swait.ge [sflag:s19], $0x4000  }
0xb9: {  	[sflag:s19] =	ssyncset.done $0x0  }
0xba: {  	[sflag:s19] =	ssyncadd.s32 $0xFFFFC000  }
0xbb: {  	[spmem:s12] =	stream.linear.scatter [tilespmem:s31], [sflag:$0x2], $0x4000, $0x38;
	[tilespmem:$0x1C200] =	vst v63  }
0xbc: {  	_ =	swait.ge [sflag:s19], $0x4000  }
0xbd: {  	[sflag:s19] =	ssyncset.done $0x0  }
0xbe: {  	[sflag:s19] =	ssyncadd.s32 $0xFFFFC000  }
0xbf: {  	[spmem:s13] =	stream.linear.scatter [tilespmem:s31], [sflag:$0x2], $0x4000, $0x38;
	[tilespmem:$0x1C200] =	vst v63  }
0xc0: {  	_ =	swait.ge [sflag:s19], $0x4000  }
0xc1: {  	[sflag:s19] =	ssyncset.done $0x0  }
0xc2: {  	[sflag:s19] =	ssyncadd.s32 $0xFFFFC000  }
0xc3: {  	[spmem:s14] =	stream.linear.scatter [tilespmem:s31], [sflag:$0x2], $0x4000, $0x38;
	[tilespmem:$0x1C200] =	vst v63  }
0xc4: {  	_ =	swait.ge [sflag:s19], $0x4000  }
0xc5: {  	[sflag:s19] =	ssyncset.done $0x0  }
0xc6: {  	[sflag:s19] =	ssyncadd.s32 $0xFFFFC000  }
0xc7: {  	[spmem:s15] =	stream.linear.scatter [tilespmem:s31], [sflag:$0x2], $0x4000, $0x38;
	[tilespmem:$0x1C200] =	vst v63  }
0xc8: {  	_ =	swait.ge [sflag:s19], $0x4000  }
0xc9: {  	[sflag:s19] =	ssyncset.done $0x0  }
0xca: {  	[sflag:s19] =	ssyncadd.s32 $0xFFFFC000  }
0xcb: {  	[spmem:s16] =	stream.linear.scatter [tilespmem:s31], [sflag:$0x2], $0x4000, $0x38;
	[tilespmem:$0x1C200] =	vst v63  }
0xcc: {  	_ =	swait.ge [sflag:s19], $0x4000  }
0xcd: {  	[sflag:s19] =	ssyncset.done $0x0  }
0xce: {  	[sflag:s19] =	ssyncadd.s32 $0xFFFFC000  }
0xcf: {  	[spmem:s17] =	stream.linear.scatter [tilespmem:s31], [sflag:$0x2], $0x4000, $0x38;
	[tilespmem:$0x1C200] =	vst v63  }
0xd0: {  	_ =	swait.ge [sflag:s19], $0x4000  }
0xd1: {  	[sflag:s19] =	ssyncset.done $0x0  }
0xd2: {  	[sflag:s19] =	ssyncadd.s32 $0xFFFFC000  }
0xd3: {  	[spmem:s18] =	stream.linear.scatter [tilespmem:s31], [sflag:$0x2], $0x4000, $0x38;
	[tilespmem:$0x1C200] =	vst v63  }
0xd4: {  	_ =	swait.ge [sflag:s19], $0x4000  }
0xd5: {  	[sflag:s19] =	ssyncset.done $0x0  }
0xd6: {  	[sflag:s19] =	ssyncadd.s32 $0xFFFFC000  }
.LBB2_5:
0xd7: {  	s9 =	simm.s32 $0x0;
	s10 =	simm.s32 $0x200  }
.LBB2_6:
0xd8: {  	p1 =	sne.s32 s10, $0xFE00;
	[tilespmem:s9+$0x10270] =	vst v1  }
0xd9: {  	[tilespmem:s9+$0x10200] =	vst v1  }
0xda: {  	[tilespmem:s9+$0x10210] =	vst v1  }
.Ltmp2:
0xdb: {  	[tilespmem:s9+$0x10220] =	vst v1;
	(pc) =	sbr.rel @p1 .LBB2_6-.Ltmp2, $4  }
0xdc: {  	[tilespmem:s9+$0x10230] =	vst v1  }
0xdd: {  	[tilespmem:s9+$0x10240] =	vst v1  }
0xde: {  	[tilespmem:s9+$0x10250] =	vst v1  }
0xdf: {  	[tilespmem:s9+$0x10260] =	vst v1;
	s9 =	sshra.s32 s10, $0x2;
	s10 =	sadd.s32 $0x200, s10  }
0xe0: {  	[tilespmem:s9+$0x10270] =	vst v1  }
0xe1: {  	[tilespmem:s9+$0x10200] =	vst v1  }
0xe2: {  	[tilespmem:s9+$0x10210] =	vst v1  }
0xe3: {  	[tilespmem:s9+$0x10220] =	vst v1  }
0xe4: {  	[tilespmem:s9+$0x10230] =	vst v1  }
0xe5: {  	[tilespmem:s9+$0x10240] =	vst v1  }
0xe6: {  	[tilespmem:s9+$0x10250] =	vst v1  }
0xe7: {  	[tilespmem:s9+$0x10260] =	vst v1  }
0xe8: {  	[bflag:$0x0] =	sbarrier.arrive $0xFFFF  }
0xe9: {  	[spmem:s1] =	stream.indirect.scatter.add.f32 [tilespmem:s31], [sflag:$0x2], $0x80, s2, s20, $0xb8;
	[tilespmem:$0x1C200] =	vst v63  }
0xea: {  	_ =	swait.ge [sflag:s19], $0x4000  }
0xeb: {  	[sflag:s19] =	ssyncset.done $0x0  }
0xec: {  	[sflag:s19] =	ssyncadd.s32 $0xFFFFC000  }
0xed: {  	[spmem:s1] =	stream.indirect.scatter.add.f32 [tilespmem:s31], [sflag:$0x2], $0x80, s20, s20, $0xb8;
	[tilespmem:$0x1C200] =	vst v63  }
0xee: {  	_ =	swait.ge [sflag:s19], $0x4000  }
0xef: {  	[sflag:s19] =	ssyncset.done $0x0  }
0xf0: {  	[sflag:s19] =	ssyncadd.s32 $0xFFFFC000  }
0xf1: {  	[spmem:s1] =	stream.indirect.scatter.add.f32 [tilespmem:s31], [sflag:$0x2], $0x80, s21, s20, $0xb8;
	[tilespmem:$0x1C200] =	vst v63  }
0xf2: {  	_ =	swait.ge [sflag:s19], $0x4000  }
0xf3: {  	[sflag:s19] =	ssyncset.done $0x0  }
0xf4: {  	[sflag:s19] =	ssyncadd.s32 $0xFFFFC000  }
0xf5: {  	[spmem:s1] =	stream.indirect.scatter.add.f32 [tilespmem:s31], [sflag:$0x2], $0x80, s22, s20, $0xb8;
	[tilespmem:$0x1C200] =	vst v63  }
0xf6: {  	_ =	swait.ge [sflag:s19], $0x4000  }
0xf7: {  	[sflag:s19] =	ssyncset.done $0x0  }
0xf8: {  	s9 =	sshrl.u32 @!p0 s1, $0x3;
	s0 =	sadd.s32 $0x1, s0;
	[sflag:s19] =	ssyncadd.s32 $0xFFFFC000  }
0xf9: {  	s10 =	simm.s32 @!p0 $0x1C02;
	p1 =	sne.s32 s0, s25;
	[bflag:$0x0] =	sbarrier.arrive $0xFFFF  }
0xfa: {  	[hbm:s24], [sflag:s10] =	dma.local @!p0 [spmem:s9], $0x10000  }
.Ltmp3:
0xfb: {  	_ = 	snop;
	(pc) =	sbr.rel @p1 .LBB2_1-.Ltmp3, $4  }
0xfc: {  	s9 =	simm.s32 @!p0 $0x2  }
0xfd: {  	_ =	swait.ge @!p0 [sflag:s9], $0x10000  }
0xfe: {  	[sflag:s9] =	ssyncset.done @!p0 $0x0  }
0xff: {  	[sflag:s9] =	ssyncadd.s32 @!p0 $0xFFFF0000  }
0x100: {  	_ =	sfence.sel $0x180000  }
0x101: {  	[bflag:$0x0] =	sbarrier.arrive $0xFFFF  }
0x102: {  	_ =	strace $0x90000047  }
0x103: {  	[bflag:$0x2] =	sbarrier.arrive $0xFFFF  }
0x104: {  	s0 =	rddreg [dreg:$0x3]  }
0x105: {  	s0 =	sadd.s32 @!p0 $0x100000, s0  }
0x106: {  	[sflag:s0] =	ssyncadd.tile.s32 @!p0 $0x1;
	_ =	shalt  }
.Lfunc_end2:
_tile_overlayer_lowered:
.L_overlay_start_2:
0x107: {  	(tag) =	ssettag $0x2  }
0x108: {  	s0 =	rddreg [dreg:$0x0];
	s2 =	stileid.u32  }
0x109: {  	s1 =	rddreg [dreg:$0x1];
	p0 =	sne.s32 s2, $0x0  }
0x10a: {  	s3 =	rddreg [dreg:$0x2];
	[bflag:$0x3] =	sbarrier.arrive $0xFFFF;
	s2 =	simm.s32 @!p0 $0x1C02  }
0x10b: {  	[timem:s3], [sflag:s2] =	dma.local @!p0 [hbm:s0], s1  }
0x10c: {  	s0 =	simm.s32 @!p0 $0x2  }
0x10d: {  	_ =	swait.ge @!p0 [sflag:s0], s1  }
0x10e: {  	s1 =	ssub.s32 @!p0 $0x0, s1;
	[sflag:s0] =	ssyncset.done @!p0 $0x0  }
0x10f: {  	[sflag:s0] =	ssyncadd.s32 @!p0 s1  }
0x110: {  	[bflag:$0x3] =	sbarrier.arrive $0xFFFF  }
0x111: {  	_ =	shalt  }

</sc_bundles>
